<compile_context>
chip_gen: v7x
topology: tpu7x:2x2x1
jax: 0.10.2.dev20260603
libtpu: 0.0.44.dev20260713+nightly
codegen_flags: <defaults>
</compile_context>

<pallas_src>
import functools

import jax
import jax.numpy as jnp
from jax import lax
from jax.experimental import pallas as pl
from jax.experimental.pallas import tpu as pltpu
from jax.experimental.pallas import tpu_sc as plsc

_QL = 4
_TK = 3
_NC = 2
_NS = 16
_DH = 128


def _sc_streams(B, N, P, D):
    mesh = plsc.VectorSubcoreMesh(core_axis_name="c", subcore_axis_name="s")

    @functools.partial(
        pl.kernel, mesh=mesh,
        out_type=[
            jax.ShapeDtypeStruct((B, _QL, N, D), jnp.float32),
            jax.ShapeDtypeStruct((B, _QL, P, D), jnp.float32),
            jax.ShapeDtypeStruct((B, _TK, N, D), jnp.float32),
        ],
        scratch_types=[
            pltpu.VMEM((N, _DH), jnp.float32),
            pltpu.VMEM((P, _DH), jnp.float32),
            pltpu.SemaphoreType.DMA,
        ],
    )
    def sc_copy(mq, pq, tae, out1, out2, out6, buf, pbuf, sem):
        wid = lax.axis_index("s") * _NC + lax.axis_index("c")
        b = wid // (D // _DH)
        d0 = (wid % (D // _DH)) * _DH

        pltpu.sync_copy(mq.at[b, :, pl.ds(d0, _DH)], buf)
        cs = [pltpu.make_async_copy(buf, out1.at[b, q, :, pl.ds(d0, _DH)], sem)
              for q in range(_QL)]
        for c in cs:
            c.start()
        pltpu.sync_copy(pq.at[b, :, pl.ds(d0, _DH)], pbuf)
        ps = [pltpu.make_async_copy(pbuf, out2.at[b, q, :, pl.ds(d0, _DH)], sem)
              for q in range(_QL)]
        for c in ps:
            c.start()
        for c in cs + ps:
            c.wait()

        for t in range(_TK):
            pltpu.sync_copy(tae.at[b, :, pl.ds(t * D + d0, _DH)], buf)
            pltpu.sync_copy(buf, out6.at[b, t, :, pl.ds(d0, _DH)])

    return sc_copy


def _tc_smalls(ego, ptm, pem, ete, out3, out4, out5, out7, out8):
    ego_v = ego[...]
    for q in range(_QL):
        out3[:, q] = ego_v
    out4[...] = jnp.zeros(out4.shape, jnp.int32)

    ptm_v = ptm[...]
    for t in range(_TK):
        out5[:, t] = ((ptm_v >> (8 * t)) & 1).astype(jnp.int8)

    pem_v = pem[...]
    b0 = (pem_v >> 0) & 1
    b1 = (pem_v >> 8) & 1
    b2 = (pem_v >> 16) & 1
    for t, bt in enumerate((b0, b1, b2)):
        out7[:, t] = bt.astype(jnp.int8)

    all_true = (b0 + b1 + b2) == 3
    ff = jnp.where(b0 == 0, 0, jnp.where(b1 == 0, 1, 2))
    pe0 = ete[:, 0]
    pe1 = ete[:, 1]
    pe2 = ete[:, 2]
    last = ete[:, 3]
    tmp = jnp.where(ff == 0, pe0, jnp.where(ff == 1, pe1, pe2))
    for t, pet in enumerate((pe0, pe1, pe2)):
        val = jnp.where(all_true, last, jnp.where(t < ff, tmp, pet))
        out8[:, t, 0] = val


def kernel(motion_query, plan_query, ego_status_feature, mask,
           temp_anchor_embed_forstate, temp_mask_forstate,
           ego_temp_anchor_embed_forstate, ego_temp_mask_forstate):
    del mask
    B, N, D = motion_query.shape
    P = plan_query.shape[1]

    ptm = jax.lax.bitcast_convert_type(
        temp_mask_forstate.astype(jnp.uint8), jnp.int32)
    pem = jax.lax.bitcast_convert_type(
        ego_temp_mask_forstate.astype(jnp.uint8), jnp.int32)
    ete = ego_temp_anchor_embed_forstate.reshape(B, _QL, D)
    tae = temp_anchor_embed_forstate.reshape(B, N, _QL * D)

    out1, out2, out6 = _sc_streams(B, N, P, D)(motion_query, plan_query, tae)

    vmem = functools.partial(pl.BlockSpec, memory_space=pltpu.VMEM)
    out3, out4, out5, out7, out8 = pl.pallas_call(
        _tc_smalls,
        in_specs=[vmem(), vmem(), vmem(), vmem()],
        out_specs=[vmem(), vmem(), vmem(), vmem(), vmem()],
        out_shape=[
            jax.ShapeDtypeStruct((B, _QL, 1, D), jnp.float32),
            jax.ShapeDtypeStruct((B, _QL), jnp.int32),
            jax.ShapeDtypeStruct((B, _TK, N), jnp.int8),
            jax.ShapeDtypeStruct((B, _TK, 1), jnp.int8),
            jax.ShapeDtypeStruct((B, _TK, 1, D), jnp.float32),
        ],
    )(ego_status_feature, ptm, pem, ete)

    return (out1, out2, out3, out4,
            out5.astype(bool), out6, out7.astype(bool), out8)

# --- scband reference (transcript-rebuilt; emitter-appended) ---
"""Pipeline reference for scband-state-queue-28123445854543 (READ-ONLY COPY).

The authoritative reference and input builder live on the scoring server;
editing this copy changes nothing except your own understanding.
"""

import jax, jax.numpy as jnp
import numpy as np

QLM = 4
QLP = 4


def setup_inputs(seed: int = 0) -> dict:
    key = jax.random.key(seed)
    ks = jax.random.split(key, 5)
    B, N, T, D = 16, 900, 4, 256
    return {
        "motion_query": jax.random.normal(ks[0], (B, N, D), dtype=jnp.float32),
        "plan_query": jax.random.normal(ks[1], (B, 18, D), dtype=jnp.float32),
        "ego_status_feature": jax.random.normal(ks[2], (B, 1, D), dtype=jnp.float32),
        "mask": jnp.zeros((B,), dtype=bool),
        "temp_anchor_embed_forstate": jax.random.normal(ks[3], (B, N, T, D), dtype=jnp.float32),
        "temp_mask_forstate": jnp.zeros((B, N, T), dtype=bool),
        "ego_temp_anchor_embed_forstate": jax.random.normal(ks[4], (B, 1, T, D), dtype=jnp.float32),
        "ego_temp_mask_forstate": jnp.zeros((B, 1, T), dtype=bool),
    }


def _trim(mask, embed):
    T = mask.shape[-1]
    if T < 4:
        last_mask = mask[..., 0]
        last_embed = embed[..., 0, :]
        current = 4 - T
        if current < 3:
            m = jnp.concatenate([jnp.stack([last_mask] * current, axis=-1), mask[..., :-1]], axis=-1)
            e = jnp.concatenate([jnp.stack([last_embed] * current, axis=-2), embed[..., :-1, :]], axis=-2)
        else:
            m = jnp.stack([last_mask] * current, axis=-1)
            e = jnp.stack([last_embed] * current, axis=-2)
    else:
        m = mask[..., :-1]
        e = embed[..., :-1, :]
    return m, e


def reference(motion_query, plan_query, ego_status_feature, mask, temp_anchor_embed_forstate, temp_mask_forstate, ego_temp_anchor_embed_forstate, ego_temp_mask_forstate):
    sg = jax.lax.stop_gradient
    B = motion_query.shape[0]
    # first call: period is None -> reset + init queues from current inputs (detached)
    period = jnp.zeros((B, QLM), dtype=jnp.int32)
    motion_queue = [sg(motion_query) for _ in range(QLM)]
    plan_queue = [sg(plan_query) for _ in range(QLP)]
    ego_queue = [sg(ego_status_feature) for _ in range(QLP)]
    if mask is not None:
        wr = jnp.logical_not(mask)  # mask[i] == False -> overwrite row i of every queue slot
        motion_queue = [jnp.where(wr[:, None, None], sg(motion_query), q) for q in motion_queue]
        plan_queue = [jnp.where(wr[:, None, None], sg(plan_query), q) for q in plan_queue]
        ego_queue = [jnp.where(wr[:, None, None], sg(ego_status_feature), q) for q in ego_queue]
        period = jnp.where(wr[:, None], 0, period)
    temp_motion_query_forstate = jnp.stack(motion_queue, axis=1)
    temp_plan_query_forstate = jnp.stack(plan_queue, axis=1)
    temp_ego_status_feature_forstate = jnp.stack(ego_queue, axis=1)
    temp_period_forstate = period
    temp_motion_mask_forstate, temp_motion_embed_forstate = _trim(temp_mask_forstate, temp_anchor_embed_forstate)
    temp_plan_mask_forstate, temp_plan_embed_forstate = _trim(ego_temp_mask_forstate, ego_temp_anchor_embed_forstate)
    pm = temp_plan_mask_forstate
    pe = temp_plan_embed_forstate
    tmj = jnp.all(pm, axis=1)  # (B, Tm): slot j all-True within row i
    all_true = jnp.all(tmj, axis=1)  # (B,)
    first_false = jnp.argmax(jnp.logical_not(tmj), axis=1)  # (B,) first non-all-True slot (0 if none)
    tmp_embed = pe[jnp.arange(B), :, first_false, :]  # (B, 1, D)
    last_embed = ego_temp_anchor_embed_forstate[:, :, -1, :]  # (B, 1, D)
    j_idx = jnp.arange(pe.shape[-2])
    set_mask = j_idx[None, :] < first_false[:, None]  # (B, Tm) leading all-True slots
    pe = jnp.where(
        all_true[:, None, None, None],
        jnp.broadcast_to(last_embed[:, :, None, :], pe.shape),
        jnp.where(set_mask[:, None, :, None], tmp_embed[:, :, None, :], pe),
    )
    temp_plan_embed_forstate = pe
    return (
        temp_motion_query_forstate,
        temp_plan_query_forstate,
        temp_ego_status_feature_forstate,
        temp_period_forstate,
        jnp.swapaxes(temp_motion_mask_forstate, 1, 2),
        jnp.swapaxes(temp_motion_embed_forstate, 1, 2),
        jnp.swapaxes(temp_plan_mask_forstate, 1, 2),
        jnp.swapaxes(temp_plan_embed_forstate, 1, 2),
    )

if __name__ == "__main__":
    import jax
    _d = setup_inputs()
    print(jax.jit(kernel)(*tuple(_d.values())))

</pallas_src>

<mosaic_0001>
#map = affine_map<(d0, d1) -> (0, 0, 0)>
#map1 = affine_map<(d0, d1) -> (0, 0, 0, 0)>
module attributes {stable_mosaic.version = 14 : i64} {
  func.func @sc_copy(%arg0: i32, %arg1: i32, %arg2: memref<16x900x256xf32, #tpu.memory_space<hbm>>, %arg3: memref<16x18x256xf32, #tpu.memory_space<hbm>>, %arg4: memref<16x900x1024xf32, #tpu.memory_space<hbm>>, %arg5: memref<16x4x900x256xf32, #tpu.memory_space<hbm>>, %arg6: memref<16x4x18x256xf32, #tpu.memory_space<hbm>>, %arg7: memref<16x3x900x256xf32, #tpu.memory_space<hbm>>, %arg8: memref<900x128xf32, #tpu.memory_space<vmem>>, %arg9: memref<18x128xf32, #tpu.memory_space<vmem>>, %arg10: memref<!tpu.dma_semaphore, #tpu.memory_space<semaphore_mem>>) attributes {dimension_semantics = [#tpu.dimension_semantics<core_parallel>, #tpu.dimension_semantics<subcore_parallel>], iteration_bounds = array<i64: 2, 16>, scalar_prefetch = 0 : i64, scratch_operands = 3 : i64, tpu.core_type = #tpu.core_type<sc_vector_subcore>, window_params = [{transform_indices = #map}, {transform_indices = #map}, {transform_indices = #map}, {transform_indices = #map1}, {transform_indices = #map1}, {transform_indices = #map1}]} {
    %mul3A = arith.constant 2 : i32
    %mul3A_0 = arith.muli %arg1, %mul3A : i32
    %add3A = arith.addi %mul3A_0, %arg0 : i32
    %jit3A = arith.constant 2 : i32
    %div3A = arith.divsi %add3A, %jit3A : i32
    %sign3A = arith.constant 0 : i32
    %sign3A_1 = arith.cmpi sgt, %add3A, %sign3A : i32
    %sign3A_2 = arith.extui %sign3A_1 : i1 to i32
    %sign3A_3 = arith.constant 0 : i32
    %sign3A_4 = arith.cmpi slt, %add3A, %sign3A_3 : i32
    %sign3A_5 = arith.extui %sign3A_4 : i1 to i32
    %sign3A_6 = arith.subi %sign3A_2, %sign3A_5 : i32
    %sign3A_7 = arith.constant 0 : i32
    %sign3A_8 = arith.cmpi sgt, %jit3A, %sign3A_7 : i32
    %sign3A_9 = arith.extui %sign3A_8 : i1 to i32
    %sign3A_10 = arith.constant 0 : i32
    %sign3A_11 = arith.cmpi slt, %jit3A, %sign3A_10 : i32
    %sign3A_12 = arith.extui %sign3A_11 : i1 to i32
    %sign3A_13 = arith.subi %sign3A_9, %sign3A_12 : i32
    %ne3A = arith.cmpi ne, %sign3A_6, %sign3A_13 : i32
    %rem3A = arith.remsi %add3A, %jit3A : i32
    %ne3A_14 = arith.constant 0 : i32
    %ne3A_15 = arith.cmpi ne, %rem3A, %ne3A_14 : i32
    %and3A = arith.andi %ne3A, %ne3A_15 : i1
    %sub3A = arith.constant 1 : i32
    %sub3A_16 = arith.subi %div3A, %sub3A : i32
    %select_n3A = arith.select %and3A, %sub3A_16, %div3A : i32
    %jit3A_17 = arith.constant 2 : i32
    %eq3A = arith.constant 0 : i32
    %eq3A_18 = arith.cmpi eq, %jit3A_17, %eq3A : i32
    %jit3A_19 = arith.constant 1 : i32
    %select_n3A_20 = arith.select %eq3A_18, %jit3A_19, %jit3A_17 : i32
    %rem3A_21 = arith.remsi %add3A, %select_n3A_20 : i32
    %ne3A_22 = arith.constant 0 : i32
    %ne3A_23 = arith.cmpi ne, %rem3A_21, %ne3A_22 : i32
    %lt3A = arith.constant 0 : i32
    %lt3A_24 = arith.cmpi slt, %rem3A_21, %lt3A : i32
    %lt3A_25 = arith.constant 0 : i32
    %lt3A_26 = arith.cmpi slt, %select_n3A_20, %lt3A_25 : i32
    %ne3A_27 = arith.xori %lt3A_24, %lt3A_26 : i1
    %and3A_28 = arith.andi %ne3A_27, %ne3A_23 : i1
    %add3A_29 = arith.addi %rem3A_21, %select_n3A_20 : i32
    %select_n3A_30 = arith.select %and3A_28, %add3A_29, %rem3A_21 : i32
    %mul3A_31 = arith.constant 128 : i32
    %mul3A_32 = arith.muli %select_n3A_30, %mul3A_31 : i32
    "tpu.region"() ({
      %run_scoped3A_151 = tpu.sem_alloc : memref<!tpu.dma_semaphore, #tpu.memory_space<semaphore_mem>>
      %dma_start3A_152 = arith.constant 0 : i32
      %dma_start3A_153 = tpu.memref_slice %arg2[%select_n3A, %dma_start3A_152, %mul3A_32] : memref<16x900x256xf32, #tpu.memory_space<hbm>> -> memref<1x900x128xf32, #tpu.memory_space<hbm>>
      %dma_start3A_154 = tpu.memref_squeeze %dma_start3A_153 : memref<1x900x128xf32, #tpu.memory_space<hbm>> -> memref<900x128xf32, #tpu.memory_space<hbm>>
      %dma_start3A_155 = arith.constant 0 : i32
      %dma_start3A_156 = tpu.memref_slice %arg2[%select_n3A, %dma_start3A_155, %mul3A_32] : memref<16x900x256xf32, #tpu.memory_space<hbm>> -> memref<1x900x128xf32, #tpu.memory_space<hbm>>
      %dma_start3A_157 = tpu.memref_squeeze %dma_start3A_156 : memref<1x900x128xf32, #tpu.memory_space<hbm>> -> memref<900x128xf32, #tpu.memory_space<hbm>>
      tpu.enqueue_dma source(%dma_start3A_157 : memref<900x128xf32, #tpu.memory_space<hbm>>) target(%arg8 : memref<900x128xf32, #tpu.memory_space<vmem>>) target_semaphore(%run_scoped3A_151 : memref<!tpu.dma_semaphore, #tpu.memory_space<semaphore_mem>>)
      %dma_wait3A_158 = arith.constant 0 : i32
      %dma_wait3A_159 = tpu.memref_slice %arg2[%select_n3A, %dma_wait3A_158, %mul3A_32] : memref<16x900x256xf32, #tpu.memory_space<hbm>> -> memref<1x900x128xf32, #tpu.memory_space<hbm>>
      %dma_wait3A_160 = tpu.memref_squeeze %dma_wait3A_159 : memref<1x900x128xf32, #tpu.memory_space<hbm>> -> memref<900x128xf32, #tpu.memory_space<hbm>>
      %dma_wait3A_161 = arith.constant 0 : i32
      %dma_wait3A_162 = tpu.memref_slice %arg2[%select_n3A, %dma_wait3A_161, %mul3A_32] : memref<16x900x256xf32, #tpu.memory_space<hbm>> -> memref<1x900x128xf32, #tpu.memory_space<hbm>>
      %dma_wait3A_163 = tpu.memref_squeeze %dma_wait3A_162 : memref<1x900x128xf32, #tpu.memory_space<hbm>> -> memref<900x128xf32, #tpu.memory_space<hbm>>
      tpu.wait_dma2 semaphore(%run_scoped3A_151 : memref<!tpu.dma_semaphore, #tpu.memory_space<semaphore_mem>>) src(%dma_wait3A_163 : memref<900x128xf32, #tpu.memory_space<hbm>>) dst(%arg8 : memref<900x128xf32, #tpu.memory_space<vmem>>)
      tpu.yield
    }) : () -> ()
    %dma_start3A = arith.constant 0 : i32
    %dma_start3A_33 = arith.constant 0 : i32
    %dma_start3A_34 = tpu.memref_slice %arg5[%select_n3A, %dma_start3A, %dma_start3A_33, %mul3A_32] : memref<16x4x900x256xf32, #tpu.memory_space<hbm>> -> memref<1x1x900x128xf32, #tpu.memory_space<hbm>>
    %dma_start3A_35 = tpu.memref_squeeze %dma_start3A_34 : memref<1x1x900x128xf32, #tpu.memory_space<hbm>> -> memref<900x128xf32, #tpu.memory_space<hbm>>
    %dma_start3A_36 = arith.constant 0 : i32
    %dma_start3A_37 = tpu.memref_slice %arg5[%select_n3A, %dma_start3A, %dma_start3A_36, %mul3A_32] : memref<16x4x900x256xf32, #tpu.memory_space<hbm>> -> memref<1x1x900x128xf32, #tpu.memory_space<hbm>>
    %dma_start3A_38 = tpu.memref_squeeze %dma_start3A_37 : memref<1x1x900x128xf32, #tpu.memory_space<hbm>> -> memref<900x128xf32, #tpu.memory_space<hbm>>
    tpu.enqueue_dma source(%arg8 : memref<900x128xf32, #tpu.memory_space<vmem>>) target(%dma_start3A_38 : memref<900x128xf32, #tpu.memory_space<hbm>>) target_semaphore(%arg10 : memref<!tpu.dma_semaphore, #tpu.memory_space<semaphore_mem>>)
    %dma_start3A_39 = arith.constant 1 : i32
    %dma_start3A_40 = arith.constant 0 : i32
    %dma_start3A_41 = tpu.memref_slice %arg5[%select_n3A, %dma_start3A_39, %dma_start3A_40, %mul3A_32] : memref<16x4x900x256xf32, #tpu.memory_space<hbm>> -> memref<1x1x900x128xf32, #tpu.memory_space<hbm>>
    %dma_start3A_42 = tpu.memref_squeeze %dma_start3A_41 : memref<1x1x900x128xf32, #tpu.memory_space<hbm>> -> memref<900x128xf32, #tpu.memory_space<hbm>>
    %dma_start3A_43 = arith.constant 0 : i32
    %dma_start3A_44 = tpu.memref_slice %arg5[%select_n3A, %dma_start3A_39, %dma_start3A_43, %mul3A_32] : memref<16x4x900x256xf32, #tpu.memory_space<hbm>> -> memref<1x1x900x128xf32, #tpu.memory_space<hbm>>
    %dma_start3A_45 = tpu.memref_squeeze %dma_start3A_44 : memref<1x1x900x128xf32, #tpu.memory_space<hbm>> -> memref<900x128xf32, #tpu.memory_space<hbm>>
    tpu.enqueue_dma source(%arg8 : memref<900x128xf32, #tpu.memory_space<vmem>>) target(%dma_start3A_45 : memref<900x128xf32, #tpu.memory_space<hbm>>) target_semaphore(%arg10 : memref<!tpu.dma_semaphore, #tpu.memory_space<semaphore_mem>>)
    %dma_start3A_46 = arith.constant 2 : i32
    %dma_start3A_47 = arith.constant 0 : i32
    %dma_start3A_48 = tpu.memref_slice %arg5[%select_n3A, %dma_start3A_46, %dma_start3A_47, %mul3A_32] : memref<16x4x900x256xf32, #tpu.memory_space<hbm>> -> memref<1x1x900x128xf32, #tpu.memory_space<hbm>>
    %dma_start3A_49 = tpu.memref_squeeze %dma_start3A_48 : memref<1x1x900x128xf32, #tpu.memory_space<hbm>> -> memref<900x128xf32, #tpu.memory_space<hbm>>
    %dma_start3A_50 = arith.constant 0 : i32
    %dma_start3A_51 = tpu.memref_slice %arg5[%select_n3A, %dma_start3A_46, %dma_start3A_50, %mul3A_32] : memref<16x4x900x256xf32, #tpu.memory_space<hbm>> -> memref<1x1x900x128xf32, #tpu.memory_space<hbm>>
    %dma_start3A_52 = tpu.memref_squeeze %dma_start3A_51 : memref<1x1x900x128xf32, #tpu.memory_space<hbm>> -> memref<900x128xf32, #tpu.memory_space<hbm>>
    tpu.enqueue_dma source(%arg8 : memref<900x128xf32, #tpu.memory_space<vmem>>) target(%dma_start3A_52 : memref<900x128xf32, #tpu.memory_space<hbm>>) target_semaphore(%arg10 : memref<!tpu.dma_semaphore, #tpu.memory_space<semaphore_mem>>)
    %dma_start3A_53 = arith.constant 3 : i32
    %dma_start3A_54 = arith.constant 0 : i32
    %dma_start3A_55 = tpu.memref_slice %arg5[%select_n3A, %dma_start3A_53, %dma_start3A_54, %mul3A_32] : memref<16x4x900x256xf32, #tpu.memory_space<hbm>> -> memref<1x1x900x128xf32, #tpu.memory_space<hbm>>
    %dma_start3A_56 = tpu.memref_squeeze %dma_start3A_55 : memref<1x1x900x128xf32, #tpu.memory_space<hbm>> -> memref<900x128xf32, #tpu.memory_space<hbm>>
    %dma_start3A_57 = arith.constant 0 : i32
    %dma_start3A_58 = tpu.memref_slice %arg5[%select_n3A, %dma_start3A_53, %dma_start3A_57, %mul3A_32] : memref<16x4x900x256xf32, #tpu.memory_space<hbm>> -> memref<1x1x900x128xf32, #tpu.memory_space<hbm>>
    %dma_start3A_59 = tpu.memref_squeeze %dma_start3A_58 : memref<1x1x900x128xf32, #tpu.memory_space<hbm>> -> memref<900x128xf32, #tpu.memory_space<hbm>>
    tpu.enqueue_dma source(%arg8 : memref<900x128xf32, #tpu.memory_space<vmem>>) target(%dma_start3A_59 : memref<900x128xf32, #tpu.memory_space<hbm>>) target_semaphore(%arg10 : memref<!tpu.dma_semaphore, #tpu.memory_space<semaphore_mem>>)
    "tpu.region"() ({
      %run_scoped3A_151 = tpu.sem_alloc : memref<!tpu.dma_semaphore, #tpu.memory_space<semaphore_mem>>
      %dma_start3A_152 = arith.constant 0 : i32
      %dma_start3A_153 = tpu.memref_slice %arg3[%select_n3A, %dma_start3A_152, %mul3A_32] : memref<16x18x256xf32, #tpu.memory_space<hbm>> -> memref<1x18x128xf32, #tpu.memory_space<hbm>>
      %dma_start3A_154 = tpu.memref_squeeze %dma_start3A_153 : memref<1x18x128xf32, #tpu.memory_space<hbm>> -> memref<18x128xf32, #tpu.memory_space<hbm>>
      %dma_start3A_155 = arith.constant 0 : i32
      %dma_start3A_156 = tpu.memref_slice %arg3[%select_n3A, %dma_start3A_155, %mul3A_32] : memref<16x18x256xf32, #tpu.memory_space<hbm>> -> memref<1x18x128xf32, #tpu.memory_space<hbm>>
      %dma_start3A_157 = tpu.memref_squeeze %dma_start3A_156 : memref<1x18x128xf32, #tpu.memory_space<hbm>> -> memref<18x128xf32, #tpu.memory_space<hbm>>
      tpu.enqueue_dma source(%dma_start3A_157 : memref<18x128xf32, #tpu.memory_space<hbm>>) target(%arg9 : memref<18x128xf32, #tpu.memory_space<vmem>>) target_semaphore(%run_scoped3A_151 : memref<!tpu.dma_semaphore, #tpu.memory_space<semaphore_mem>>)
      %dma_wait3A_158 = arith.constant 0 : i32
      %dma_wait3A_159 = tpu.memref_slice %arg3[%select_n3A, %dma_wait3A_158, %mul3A_32] : memref<16x18x256xf32, #tpu.memory_space<hbm>> -> memref<1x18x128xf32, #tpu.memory_space<hbm>>
      %dma_wait3A_160 = tpu.memref_squeeze %dma_wait3A_159 : memref<1x18x128xf32, #tpu.memory_space<hbm>> -> memref<18x128xf32, #tpu.memory_space<hbm>>
      %dma_wait3A_161 = arith.constant 0 : i32
      %dma_wait3A_162 = tpu.memref_slice %arg3[%select_n3A, %dma_wait3A_161, %mul3A_32] : memref<16x18x256xf32, #tpu.memory_space<hbm>> -> memref<1x18x128xf32, #tpu.memory_space<hbm>>
      %dma_wait3A_163 = tpu.memref_squeeze %dma_wait3A_162 : memref<1x18x128xf32, #tpu.memory_space<hbm>> -> memref<18x128xf32, #tpu.memory_space<hbm>>
      tpu.wait_dma2 semaphore(%run_scoped3A_151 : memref<!tpu.dma_semaphore, #tpu.memory_space<semaphore_mem>>) src(%dma_wait3A_163 : memref<18x128xf32, #tpu.memory_space<hbm>>) dst(%arg9 : memref<18x128xf32, #tpu.memory_space<vmem>>)
      tpu.yield
    }) : () -> ()
    %dma_start3A_60 = arith.constant 0 : i32
    %dma_start3A_61 = arith.constant 0 : i32
    %dma_start3A_62 = tpu.memref_slice %arg6[%select_n3A, %dma_start3A_60, %dma_start3A_61, %mul3A_32] : memref<16x4x18x256xf32, #tpu.memory_space<hbm>> -> memref<1x1x18x128xf32, #tpu.memory_space<hbm>>
    %dma_start3A_63 = tpu.memref_squeeze %dma_start3A_62 : memref<1x1x18x128xf32, #tpu.memory_space<hbm>> -> memref<18x128xf32, #tpu.memory_space<hbm>>
    %dma_start3A_64 = arith.constant 0 : i32
    %dma_start3A_65 = tpu.memref_slice %arg6[%select_n3A, %dma_start3A_60, %dma_start3A_64, %mul3A_32] : memref<16x4x18x256xf32, #tpu.memory_space<hbm>> -> memref<1x1x18x128xf32, #tpu.memory_space<hbm>>
    %dma_start3A_66 = tpu.memref_squeeze %dma_start3A_65 : memref<1x1x18x128xf32, #tpu.memory_space<hbm>> -> memref<18x128xf32, #tpu.memory_space<hbm>>
    tpu.enqueue_dma source(%arg9 : memref<18x128xf32, #tpu.memory_space<vmem>>) target(%dma_start3A_66 : memref<18x128xf32, #tpu.memory_space<hbm>>) target_semaphore(%arg10 : memref<!tpu.dma_semaphore, #tpu.memory_space<semaphore_mem>>)
    %dma_start3A_67 = arith.constant 1 : i32
    %dma_start3A_68 = arith.constant 0 : i32
    %dma_start3A_69 = tpu.memref_slice %arg6[%select_n3A, %dma_start3A_67, %dma_start3A_68, %mul3A_32] : memref<16x4x18x256xf32, #tpu.memory_space<hbm>> -> memref<1x1x18x128xf32, #tpu.memory_space<hbm>>
    %dma_start3A_70 = tpu.memref_squeeze %dma_start3A_69 : memref<1x1x18x128xf32, #tpu.memory_space<hbm>> -> memref<18x128xf32, #tpu.memory_space<hbm>>
    %dma_start3A_71 = arith.constant 0 : i32
    %dma_start3A_72 = tpu.memref_slice %arg6[%select_n3A, %dma_start3A_67, %dma_start3A_71, %mul3A_32] : memref<16x4x18x256xf32, #tpu.memory_space<hbm>> -> memref<1x1x18x128xf32, #tpu.memory_space<hbm>>
    %dma_start3A_73 = tpu.memref_squeeze %dma_start3A_72 : memref<1x1x18x128xf32, #tpu.memory_space<hbm>> -> memref<18x128xf32, #tpu.memory_space<hbm>>
    tpu.enqueue_dma source(%arg9 : memref<18x128xf32, #tpu.memory_space<vmem>>) target(%dma_start3A_73 : memref<18x128xf32, #tpu.memory_space<hbm>>) target_semaphore(%arg10 : memref<!tpu.dma_semaphore, #tpu.memory_space<semaphore_mem>>)
    %dma_start3A_74 = arith.constant 2 : i32
    %dma_start3A_75 = arith.constant 0 : i32
    %dma_start3A_76 = tpu.memref_slice %arg6[%select_n3A, %dma_start3A_74, %dma_start3A_75, %mul3A_32] : memref<16x4x18x256xf32, #tpu.memory_space<hbm>> -> memref<1x1x18x128xf32, #tpu.memory_space<hbm>>
    %dma_start3A_77 = tpu.memref_squeeze %dma_start3A_76 : memref<1x1x18x128xf32, #tpu.memory_space<hbm>> -> memref<18x128xf32, #tpu.memory_space<hbm>>
    %dma_start3A_78 = arith.constant 0 : i32
    %dma_start3A_79 = tpu.memref_slice %arg6[%select_n3A, %dma_start3A_74, %dma_start3A_78, %mul3A_32] : memref<16x4x18x256xf32, #tpu.memory_space<hbm>> -> memref<1x1x18x128xf32, #tpu.memory_space<hbm>>
    %dma_start3A_80 = tpu.memref_squeeze %dma_start3A_79 : memref<1x1x18x128xf32, #tpu.memory_space<hbm>> -> memref<18x128xf32, #tpu.memory_space<hbm>>
    tpu.enqueue_dma source(%arg9 : memref<18x128xf32, #tpu.memory_space<vmem>>) target(%dma_start3A_80 : memref<18x128xf32, #tpu.memory_space<hbm>>) target_semaphore(%arg10 : memref<!tpu.dma_semaphore, #tpu.memory_space<semaphore_mem>>)
    %dma_start3A_81 = arith.constant 3 : i32
    %dma_start3A_82 = arith.constant 0 : i32
    %dma_start3A_83 = tpu.memref_slice %arg6[%select_n3A, %dma_start3A_81, %dma_start3A_82, %mul3A_32] : memref<16x4x18x256xf32, #tpu.memory_space<hbm>> -> memref<1x1x18x128xf32, #tpu.memory_space<hbm>>
    %dma_start3A_84 = tpu.memref_squeeze %dma_start3A_83 : memref<1x1x18x128xf32, #tpu.memory_space<hbm>> -> memref<18x128xf32, #tpu.memory_space<hbm>>
    %dma_start3A_85 = arith.constant 0 : i32
    %dma_start3A_86 = tpu.memref_slice %arg6[%select_n3A, %dma_start3A_81, %dma_start3A_85, %mul3A_32] : memref<16x4x18x256xf32, #tpu.memory_space<hbm>> -> memref<1x1x18x128xf32, #tpu.memory_space<hbm>>
    %dma_start3A_87 = tpu.memref_squeeze %dma_start3A_86 : memref<1x1x18x128xf32, #tpu.memory_space<hbm>> -> memref<18x128xf32, #tpu.memory_space<hbm>>
    tpu.enqueue_dma source(%arg9 : memref<18x128xf32, #tpu.memory_space<vmem>>) target(%dma_start3A_87 : memref<18x128xf32, #tpu.memory_space<hbm>>) target_semaphore(%arg10 : memref<!tpu.dma_semaphore, #tpu.memory_space<semaphore_mem>>)
    %dma_wait3A = arith.constant 0 : i32
    %dma_wait3A_88 = arith.constant 0 : i32
    %dma_wait3A_89 = tpu.memref_slice %arg5[%select_n3A, %dma_wait3A, %dma_wait3A_88, %mul3A_32] : memref<16x4x900x256xf32, #tpu.memory_space<hbm>> -> memref<1x1x900x128xf32, #tpu.memory_space<hbm>>
    %dma_wait3A_90 = tpu.memref_squeeze %dma_wait3A_89 : memref<1x1x900x128xf32, #tpu.memory_space<hbm>> -> memref<900x128xf32, #tpu.memory_space<hbm>>
    %dma_wait3A_91 = arith.constant 0 : i32
    %dma_wait3A_92 = tpu.memref_slice %arg5[%select_n3A, %dma_wait3A, %dma_wait3A_91, %mul3A_32] : memref<16x4x900x256xf32, #tpu.memory_space<hbm>> -> memref<1x1x900x128xf32, #tpu.memory_space<hbm>>
    %dma_wait3A_93 = tpu.memref_squeeze %dma_wait3A_92 : memref<1x1x900x128xf32, #tpu.memory_space<hbm>> -> memref<900x128xf32, #tpu.memory_space<hbm>>
    tpu.wait_dma2 semaphore(%arg10 : memref<!tpu.dma_semaphore, #tpu.memory_space<semaphore_mem>>) src(%arg8 : memref<900x128xf32, #tpu.memory_space<vmem>>) dst(%dma_wait3A_93 : memref<900x128xf32, #tpu.memory_space<hbm>>)
    %dma_wait3A_94 = arith.constant 1 : i32
    %dma_wait3A_95 = arith.constant 0 : i32
    %dma_wait3A_96 = tpu.memref_slice %arg5[%select_n3A, %dma_wait3A_94, %dma_wait3A_95, %mul3A_32] : memref<16x4x900x256xf32, #tpu.memory_space<hbm>> -> memref<1x1x900x128xf32, #tpu.memory_space<hbm>>
    %dma_wait3A_97 = tpu.memref_squeeze %dma_wait3A_96 : memref<1x1x900x128xf32, #tpu.memory_space<hbm>> -> memref<900x128xf32, #tpu.memory_space<hbm>>
    %dma_wait3A_98 = arith.constant 0 : i32
    %dma_wait3A_99 = tpu.memref_slice %arg5[%select_n3A, %dma_wait3A_94, %dma_wait3A_98, %mul3A_32] : memref<16x4x900x256xf32, #tpu.memory_space<hbm>> -> memref<1x1x900x128xf32, #tpu.memory_space<hbm>>
    %dma_wait3A_100 = tpu.memref_squeeze %dma_wait3A_99 : memref<1x1x900x128xf32, #tpu.memory_space<hbm>> -> memref<900x128xf32, #tpu.memory_space<hbm>>
    tpu.wait_dma2 semaphore(%arg10 : memref<!tpu.dma_semaphore, #tpu.memory_space<semaphore_mem>>) src(%arg8 : memref<900x128xf32, #tpu.memory_space<vmem>>) dst(%dma_wait3A_100 : memref<900x128xf32, #tpu.memory_space<hbm>>)
    %dma_wait3A_101 = arith.constant 2 : i32
    %dma_wait3A_102 = arith.constant 0 : i32
    %dma_wait3A_103 = tpu.memref_slice %arg5[%select_n3A, %dma_wait3A_101, %dma_wait3A_102, %mul3A_32] : memref<16x4x900x256xf32, #tpu.memory_space<hbm>> -> memref<1x1x900x128xf32, #tpu.memory_space<hbm>>
    %dma_wait3A_104 = tpu.memref_squeeze %dma_wait3A_103 : memref<1x1x900x128xf32, #tpu.memory_space<hbm>> -> memref<900x128xf32, #tpu.memory_space<hbm>>
    %dma_wait3A_105 = arith.constant 0 : i32
    %dma_wait3A_106 = tpu.memref_slice %arg5[%select_n3A, %dma_wait3A_101, %dma_wait3A_105, %mul3A_32] : memref<16x4x900x256xf32, #tpu.memory_space<hbm>> -> memref<1x1x900x128xf32, #tpu.memory_space<hbm>>
    %dma_wait3A_107 = tpu.memref_squeeze %dma_wait3A_106 : memref<1x1x900x128xf32, #tpu.memory_space<hbm>> -> memref<900x128xf32, #tpu.memory_space<hbm>>
    tpu.wait_dma2 semaphore(%arg10 : memref<!tpu.dma_semaphore, #tpu.memory_space<semaphore_mem>>) src(%arg8 : memref<900x128xf32, #tpu.memory_space<vmem>>) dst(%dma_wait3A_107 : memref<900x128xf32, #tpu.memory_space<hbm>>)
    %dma_wait3A_108 = arith.constant 3 : i32
    %dma_wait3A_109 = arith.constant 0 : i32
    %dma_wait3A_110 = tpu.memref_slice %arg5[%select_n3A, %dma_wait3A_108, %dma_wait3A_109, %mul3A_32] : memref<16x4x900x256xf32, #tpu.memory_space<hbm>> -> memref<1x1x900x128xf32, #tpu.memory_space<hbm>>
    %dma_wait3A_111 = tpu.memref_squeeze %dma_wait3A_110 : memref<1x1x900x128xf32, #tpu.memory_space<hbm>> -> memref<900x128xf32, #tpu.memory_space<hbm>>
    %dma_wait3A_112 = arith.constant 0 : i32
    %dma_wait3A_113 = tpu.memref_slice %arg5[%select_n3A, %dma_wait3A_108, %dma_wait3A_112, %mul3A_32] : memref<16x4x900x256xf32, #tpu.memory_space<hbm>> -> memref<1x1x900x128xf32, #tpu.memory_space<hbm>>
    %dma_wait3A_114 = tpu.memref_squeeze %dma_wait3A_113 : memref<1x1x900x128xf32, #tpu.memory_space<hbm>> -> memref<900x128xf32, #tpu.memory_space<hbm>>
    tpu.wait_dma2 semaphore(%arg10 : memref<!tpu.dma_semaphore, #tpu.memory_space<semaphore_mem>>) src(%arg8 : memref<900x128xf32, #tpu.memory_space<vmem>>) dst(%dma_wait3A_114 : memref<900x128xf32, #tpu.memory_space<hbm>>)
    %dma_wait3A_115 = arith.constant 0 : i32
    %dma_wait3A_116 = arith.constant 0 : i32
    %dma_wait3A_117 = tpu.memref_slice %arg6[%select_n3A, %dma_wait3A_115, %dma_wait3A_116, %mul3A_32] : memref<16x4x18x256xf32, #tpu.memory_space<hbm>> -> memref<1x1x18x128xf32, #tpu.memory_space<hbm>>
    %dma_wait3A_118 = tpu.memref_squeeze %dma_wait3A_117 : memref<1x1x18x128xf32, #tpu.memory_space<hbm>> -> memref<18x128xf32, #tpu.memory_space<hbm>>
    %dma_wait3A_119 = arith.constant 0 : i32
    %dma_wait3A_120 = tpu.memref_slice %arg6[%select_n3A, %dma_wait3A_115, %dma_wait3A_119, %mul3A_32] : memref<16x4x18x256xf32, #tpu.memory_space<hbm>> -> memref<1x1x18x128xf32, #tpu.memory_space<hbm>>
    %dma_wait3A_121 = tpu.memref_squeeze %dma_wait3A_120 : memref<1x1x18x128xf32, #tpu.memory_space<hbm>> -> memref<18x128xf32, #tpu.memory_space<hbm>>
    tpu.wait_dma2 semaphore(%arg10 : memref<!tpu.dma_semaphore, #tpu.memory_space<semaphore_mem>>) src(%arg9 : memref<18x128xf32, #tpu.memory_space<vmem>>) dst(%dma_wait3A_121 : memref<18x128xf32, #tpu.memory_space<hbm>>)
    %dma_wait3A_122 = arith.constant 1 : i32
    %dma_wait3A_123 = arith.constant 0 : i32
    %dma_wait3A_124 = tpu.memref_slice %arg6[%select_n3A, %dma_wait3A_122, %dma_wait3A_123, %mul3A_32] : memref<16x4x18x256xf32, #tpu.memory_space<hbm>> -> memref<1x1x18x128xf32, #tpu.memory_space<hbm>>
    %dma_wait3A_125 = tpu.memref_squeeze %dma_wait3A_124 : memref<1x1x18x128xf32, #tpu.memory_space<hbm>> -> memref<18x128xf32, #tpu.memory_space<hbm>>
    %dma_wait3A_126 = arith.constant 0 : i32
    %dma_wait3A_127 = tpu.memref_slice %arg6[%select_n3A, %dma_wait3A_122, %dma_wait3A_126, %mul3A_32] : memref<16x4x18x256xf32, #tpu.memory_space<hbm>> -> memref<1x1x18x128xf32, #tpu.memory_space<hbm>>
    %dma_wait3A_128 = tpu.memref_squeeze %dma_wait3A_127 : memref<1x1x18x128xf32, #tpu.memory_space<hbm>> -> memref<18x128xf32, #tpu.memory_space<hbm>>
    tpu.wait_dma2 semaphore(%arg10 : memref<!tpu.dma_semaphore, #tpu.memory_space<semaphore_mem>>) src(%arg9 : memref<18x128xf32, #tpu.memory_space<vmem>>) dst(%dma_wait3A_128 : memref<18x128xf32, #tpu.memory_space<hbm>>)
    %dma_wait3A_129 = arith.constant 2 : i32
    %dma_wait3A_130 = arith.constant 0 : i32
    %dma_wait3A_131 = tpu.memref_slice %arg6[%select_n3A, %dma_wait3A_129, %dma_wait3A_130, %mul3A_32] : memref<16x4x18x256xf32, #tpu.memory_space<hbm>> -> memref<1x1x18x128xf32, #tpu.memory_space<hbm>>
    %dma_wait3A_132 = tpu.memref_squeeze %dma_wait3A_131 : memref<1x1x18x128xf32, #tpu.memory_space<hbm>> -> memref<18x128xf32, #tpu.memory_space<hbm>>
    %dma_wait3A_133 = arith.constant 0 : i32
    %dma_wait3A_134 = tpu.memref_slice %arg6[%select_n3A, %dma_wait3A_129, %dma_wait3A_133, %mul3A_32] : memref<16x4x18x256xf32, #tpu.memory_space<hbm>> -> memref<1x1x18x128xf32, #tpu.memory_space<hbm>>
    %dma_wait3A_135 = tpu.memref_squeeze %dma_wait3A_134 : memref<1x1x18x128xf32, #tpu.memory_space<hbm>> -> memref<18x128xf32, #tpu.memory_space<hbm>>
    tpu.wait_dma2 semaphore(%arg10 : memref<!tpu.dma_semaphore, #tpu.memory_space<semaphore_mem>>) src(%arg9 : memref<18x128xf32, #tpu.memory_space<vmem>>) dst(%dma_wait3A_135 : memref<18x128xf32, #tpu.memory_space<hbm>>)
    %dma_wait3A_136 = arith.constant 3 : i32
    %dma_wait3A_137 = arith.constant 0 : i32
    %dma_wait3A_138 = tpu.memref_slice %arg6[%select_n3A, %dma_wait3A_136, %dma_wait3A_137, %mul3A_32] : memref<16x4x18x256xf32, #tpu.memory_space<hbm>> -> memref<1x1x18x128xf32, #tpu.memory_space<hbm>>
    %dma_wait3A_139 = tpu.memref_squeeze %dma_wait3A_138 : memref<1x1x18x128xf32, #tpu.memory_space<hbm>> -> memref<18x128xf32, #tpu.memory_space<hbm>>
    %dma_wait3A_140 = arith.constant 0 : i32
    %dma_wait3A_141 = tpu.memref_slice %arg6[%select_n3A, %dma_wait3A_136, %dma_wait3A_140, %mul3A_32] : memref<16x4x18x256xf32, #tpu.memory_space<hbm>> -> memref<1x1x18x128xf32, #tpu.memory_space<hbm>>
    %dma_wait3A_142 = tpu.memref_squeeze %dma_wait3A_141 : memref<1x1x18x128xf32, #tpu.memory_space<hbm>> -> memref<18x128xf32, #tpu.memory_space<hbm>>
    tpu.wait_dma2 semaphore(%arg10 : memref<!tpu.dma_semaphore, #tpu.memory_space<semaphore_mem>>) src(%arg9 : memref<18x128xf32, #tpu.memory_space<vmem>>) dst(%dma_wait3A_142 : memref<18x128xf32, #tpu.memory_space<hbm>>)
    %add3A_143 = arith.constant 0 : i32
    %add3A_144 = arith.addi %add3A_143, %mul3A_32 : i32
    "tpu.region"() ({
      %run_scoped3A_151 = tpu.sem_alloc : memref<!tpu.dma_semaphore, #tpu.memory_space<semaphore_mem>>
      %dma_start3A_152 = arith.constant 0 : i32
      %dma_start3A_153 = tpu.memref_slice %arg4[%select_n3A, %dma_start3A_152, %add3A_144] : memref<16x900x1024xf32, #tpu.memory_space<hbm>> -> memref<1x900x128xf32, #tpu.memory_space<hbm>>
      %dma_start3A_154 = tpu.memref_squeeze %dma_start3A_153 : memref<1x900x128xf32, #tpu.memory_space<hbm>> -> memref<900x128xf32, #tpu.memory_space<hbm>>
      %dma_start3A_155 = arith.constant 0 : i32
      %dma_start3A_156 = tpu.memref_slice %arg4[%select_n3A, %dma_start3A_155, %add3A_144] : memref<16x900x1024xf32, #tpu.memory_space<hbm>> -> memref<1x900x128xf32, #tpu.memory_space<hbm>>
      %dma_start3A_157 = tpu.memref_squeeze %dma_start3A_156 : memref<1x900x128xf32, #tpu.memory_space<hbm>> -> memref<900x128xf32, #tpu.memory_space<hbm>>
      tpu.enqueue_dma source(%dma_start3A_157 : memref<900x128xf32, #tpu.memory_space<hbm>>) target(%arg8 : memref<900x128xf32, #tpu.memory_space<vmem>>) target_semaphore(%run_scoped3A_151 : memref<!tpu.dma_semaphore, #tpu.memory_space<semaphore_mem>>)
      %dma_wait3A_158 = arith.constant 0 : i32
      %dma_wait3A_159 = tpu.memref_slice %arg4[%select_n3A, %dma_wait3A_158, %add3A_144] : memref<16x900x1024xf32, #tpu.memory_space<hbm>> -> memref<1x900x128xf32, #tpu.memory_space<hbm>>
      %dma_wait3A_160 = tpu.memref_squeeze %dma_wait3A_159 : memref<1x900x128xf32, #tpu.memory_space<hbm>> -> memref<900x128xf32, #tpu.memory_space<hbm>>
      %dma_wait3A_161 = arith.constant 0 : i32
      %dma_wait3A_162 = tpu.memref_slice %arg4[%select_n3A, %dma_wait3A_161, %add3A_144] : memref<16x900x1024xf32, #tpu.memory_space<hbm>> -> memref<1x900x128xf32, #tpu.memory_space<hbm>>
      %dma_wait3A_163 = tpu.memref_squeeze %dma_wait3A_162 : memref<1x900x128xf32, #tpu.memory_space<hbm>> -> memref<900x128xf32, #tpu.memory_space<hbm>>
      tpu.wait_dma2 semaphore(%run_scoped3A_151 : memref<!tpu.dma_semaphore, #tpu.memory_space<semaphore_mem>>) src(%dma_wait3A_163 : memref<900x128xf32, #tpu.memory_space<hbm>>) dst(%arg8 : memref<900x128xf32, #tpu.memory_space<vmem>>)
      tpu.yield
    }) : () -> ()
    %run_scoped3A = arith.constant 0 : i32
    "tpu.region"() ({
      %run_scoped3A_151 = tpu.sem_alloc : memref<!tpu.dma_semaphore, #tpu.memory_space<semaphore_mem>>
      %dma_start3A_152 = arith.constant 0 : i32
      %dma_start3A_153 = tpu.memref_slice %arg7[%select_n3A, %run_scoped3A, %dma_start3A_152, %mul3A_32] : memref<16x3x900x256xf32, #tpu.memory_space<hbm>> -> memref<1x1x900x128xf32, #tpu.memory_space<hbm>>
      %dma_start3A_154 = tpu.memref_squeeze %dma_start3A_153 : memref<1x1x900x128xf32, #tpu.memory_space<hbm>> -> memref<900x128xf32, #tpu.memory_space<hbm>>
      %dma_start3A_155 = arith.constant 0 : i32
      %dma_start3A_156 = tpu.memref_slice %arg7[%select_n3A, %run_scoped3A, %dma_start3A_155, %mul3A_32] : memref<16x3x900x256xf32, #tpu.memory_space<hbm>> -> memref<1x1x900x128xf32, #tpu.memory_space<hbm>>
      %dma_start3A_157 = tpu.memref_squeeze %dma_start3A_156 : memref<1x1x900x128xf32, #tpu.memory_space<hbm>> -> memref<900x128xf32, #tpu.memory_space<hbm>>
      tpu.enqueue_dma source(%arg8 : memref<900x128xf32, #tpu.memory_space<vmem>>) target(%dma_start3A_157 : memref<900x128xf32, #tpu.memory_space<hbm>>) target_semaphore(%run_scoped3A_151 : memref<!tpu.dma_semaphore, #tpu.memory_space<semaphore_mem>>)
      %dma_wait3A_158 = arith.constant 0 : i32
      %dma_wait3A_159 = tpu.memref_slice %arg7[%select_n3A, %run_scoped3A, %dma_wait3A_158, %mul3A_32] : memref<16x3x900x256xf32, #tpu.memory_space<hbm>> -> memref<1x1x900x128xf32, #tpu.memory_space<hbm>>
      %dma_wait3A_160 = tpu.memref_squeeze %dma_wait3A_159 : memref<1x1x900x128xf32, #tpu.memory_space<hbm>> -> memref<900x128xf32, #tpu.memory_space<hbm>>
      %dma_wait3A_161 = arith.constant 0 : i32
      %dma_wait3A_162 = tpu.memref_slice %arg7[%select_n3A, %run_scoped3A, %dma_wait3A_161, %mul3A_32] : memref<16x3x900x256xf32, #tpu.memory_space<hbm>> -> memref<1x1x900x128xf32, #tpu.memory_space<hbm>>
      %dma_wait3A_163 = tpu.memref_squeeze %dma_wait3A_162 : memref<1x1x900x128xf32, #tpu.memory_space<hbm>> -> memref<900x128xf32, #tpu.memory_space<hbm>>
      tpu.wait_dma2 semaphore(%run_scoped3A_151 : memref<!tpu.dma_semaphore, #tpu.memory_space<semaphore_mem>>) src(%arg8 : memref<900x128xf32, #tpu.memory_space<vmem>>) dst(%dma_wait3A_163 : memref<900x128xf32, #tpu.memory_space<hbm>>)
      tpu.yield
    }) : () -> ()
    %add3A_145 = arith.constant 256 : i32
    %add3A_146 = arith.addi %add3A_145, %mul3A_32 : i32
    "tpu.region"() ({
      %run_scoped3A_151 = tpu.sem_alloc : memref<!tpu.dma_semaphore, #tpu.memory_space<semaphore_mem>>
      %dma_start3A_152 = arith.constant 0 : i32
      %dma_start3A_153 = tpu.memref_slice %arg4[%select_n3A, %dma_start3A_152, %add3A_146] : memref<16x900x1024xf32, #tpu.memory_space<hbm>> -> memref<1x900x128xf32, #tpu.memory_space<hbm>>
      %dma_start3A_154 = tpu.memref_squeeze %dma_start3A_153 : memref<1x900x128xf32, #tpu.memory_space<hbm>> -> memref<900x128xf32, #tpu.memory_space<hbm>>
      %dma_start3A_155 = arith.constant 0 : i32
      %dma_start3A_156 = tpu.memref_slice %arg4[%select_n3A, %dma_start3A_155, %add3A_146] : memref<16x900x1024xf32, #tpu.memory_space<hbm>> -> memref<1x900x128xf32, #tpu.memory_space<hbm>>
      %dma_start3A_157 = tpu.memref_squeeze %dma_start3A_156 : memref<1x900x128xf32, #tpu.memory_space<hbm>> -> memref<900x128xf32, #tpu.memory_space<hbm>>
      tpu.enqueue_dma source(%dma_start3A_157 : memref<900x128xf32, #tpu.memory_space<hbm>>) target(%arg8 : memref<900x128xf32, #tpu.memory_space<vmem>>) target_semaphore(%run_scoped3A_151 : memref<!tpu.dma_semaphore, #tpu.memory_space<semaphore_mem>>)
      %dma_wait3A_158 = arith.constant 0 : i32
      %dma_wait3A_159 = tpu.memref_slice %arg4[%select_n3A, %dma_wait3A_158, %add3A_146] : memref<16x900x1024xf32, #tpu.memory_space<hbm>> -> memref<1x900x128xf32, #tpu.memory_space<hbm>>
      %dma_wait3A_160 = tpu.memref_squeeze %dma_wait3A_159 : memref<1x900x128xf32, #tpu.memory_space<hbm>> -> memref<900x128xf32, #tpu.memory_space<hbm>>
      %dma_wait3A_161 = arith.constant 0 : i32
      %dma_wait3A_162 = tpu.memref_slice %arg4[%select_n3A, %dma_wait3A_161, %add3A_146] : memref<16x900x1024xf32, #tpu.memory_space<hbm>> -> memref<1x900x128xf32, #tpu.memory_space<hbm>>
      %dma_wait3A_163 = tpu.memref_squeeze %dma_wait3A_162 : memref<1x900x128xf32, #tpu.memory_space<hbm>> -> memref<900x128xf32, #tpu.memory_space<hbm>>
      tpu.wait_dma2 semaphore(%run_scoped3A_151 : memref<!tpu.dma_semaphore, #tpu.memory_space<semaphore_mem>>) src(%dma_wait3A_163 : memref<900x128xf32, #tpu.memory_space<hbm>>) dst(%arg8 : memref<900x128xf32, #tpu.memory_space<vmem>>)
      tpu.yield
    }) : () -> ()
    %run_scoped3A_147 = arith.constant 1 : i32
    "tpu.region"() ({
      %run_scoped3A_151 = tpu.sem_alloc : memref<!tpu.dma_semaphore, #tpu.memory_space<semaphore_mem>>
      %dma_start3A_152 = arith.constant 0 : i32
      %dma_start3A_153 = tpu.memref_slice %arg7[%select_n3A, %run_scoped3A_147, %dma_start3A_152, %mul3A_32] : memref<16x3x900x256xf32, #tpu.memory_space<hbm>> -> memref<1x1x900x128xf32, #tpu.memory_space<hbm>>
      %dma_start3A_154 = tpu.memref_squeeze %dma_start3A_153 : memref<1x1x900x128xf32, #tpu.memory_space<hbm>> -> memref<900x128xf32, #tpu.memory_space<hbm>>
      %dma_start3A_155 = arith.constant 0 : i32
      %dma_start3A_156 = tpu.memref_slice %arg7[%select_n3A, %run_scoped3A_147, %dma_start3A_155, %mul3A_32] : memref<16x3x900x256xf32, #tpu.memory_space<hbm>> -> memref<1x1x900x128xf32, #tpu.memory_space<hbm>>
      %dma_start3A_157 = tpu.memref_squeeze %dma_start3A_156 : memref<1x1x900x128xf32, #tpu.memory_space<hbm>> -> memref<900x128xf32, #tpu.memory_space<hbm>>
      tpu.enqueue_dma source(%arg8 : memref<900x128xf32, #tpu.memory_space<vmem>>) target(%dma_start3A_157 : memref<900x128xf32, #tpu.memory_space<hbm>>) target_semaphore(%run_scoped3A_151 : memref<!tpu.dma_semaphore, #tpu.memory_space<semaphore_mem>>)
      %dma_wait3A_158 = arith.constant 0 : i32
      %dma_wait3A_159 = tpu.memref_slice %arg7[%select_n3A, %run_scoped3A_147, %dma_wait3A_158, %mul3A_32] : memref<16x3x900x256xf32, #tpu.memory_space<hbm>> -> memref<1x1x900x128xf32, #tpu.memory_space<hbm>>
      %dma_wait3A_160 = tpu.memref_squeeze %dma_wait3A_159 : memref<1x1x900x128xf32, #tpu.memory_space<hbm>> -> memref<900x128xf32, #tpu.memory_space<hbm>>
      %dma_wait3A_161 = arith.constant 0 : i32
      %dma_wait3A_162 = tpu.memref_slice %arg7[%select_n3A, %run_scoped3A_147, %dma_wait3A_161, %mul3A_32] : memref<16x3x900x256xf32, #tpu.memory_space<hbm>> -> memref<1x1x900x128xf32, #tpu.memory_space<hbm>>
      %dma_wait3A_163 = tpu.memref_squeeze %dma_wait3A_162 : memref<1x1x900x128xf32, #tpu.memory_space<hbm>> -> memref<900x128xf32, #tpu.memory_space<hbm>>
      tpu.wait_dma2 semaphore(%run_scoped3A_151 : memref<!tpu.dma_semaphore, #tpu.memory_space<semaphore_mem>>) src(%arg8 : memref<900x128xf32, #tpu.memory_space<vmem>>) dst(%dma_wait3A_163 : memref<900x128xf32, #tpu.memory_space<hbm>>)
      tpu.yield
    }) : () -> ()
    %add3A_148 = arith.constant 512 : i32
    %add3A_149 = arith.addi %add3A_148, %mul3A_32 : i32
    "tpu.region"() ({
      %run_scoped3A_151 = tpu.sem_alloc : memref<!tpu.dma_semaphore, #tpu.memory_space<semaphore_mem>>
      %dma_start3A_152 = arith.constant 0 : i32
      %dma_start3A_153 = tpu.memref_slice %arg4[%select_n3A, %dma_start3A_152, %add3A_149] : memref<16x900x1024xf32, #tpu.memory_space<hbm>> -> memref<1x900x128xf32, #tpu.memory_space<hbm>>
      %dma_start3A_154 = tpu.memref_squeeze %dma_start3A_153 : memref<1x900x128xf32, #tpu.memory_space<hbm>> -> memref<900x128xf32, #tpu.memory_space<hbm>>
      %dma_start3A_155 = arith.constant 0 : i32
      %dma_start3A_156 = tpu.memref_slice %arg4[%select_n3A, %dma_start3A_155, %add3A_149] : memref<16x900x1024xf32, #tpu.memory_space<hbm>> -> memref<1x900x128xf32, #tpu.memory_space<hbm>>
      %dma_start3A_157 = tpu.memref_squeeze %dma_start3A_156 : memref<1x900x128xf32, #tpu.memory_space<hbm>> -> memref<900x128xf32, #tpu.memory_space<hbm>>
      tpu.enqueue_dma source(%dma_start3A_157 : memref<900x128xf32, #tpu.memory_space<hbm>>) target(%arg8 : memref<900x128xf32, #tpu.memory_space<vmem>>) target_semaphore(%run_scoped3A_151 : memref<!tpu.dma_semaphore, #tpu.memory_space<semaphore_mem>>)
      %dma_wait3A_158 = arith.constant 0 : i32
      %dma_wait3A_159 = tpu.memref_slice %arg4[%select_n3A, %dma_wait3A_158, %add3A_149] : memref<16x900x1024xf32, #tpu.memory_space<hbm>> -> memref<1x900x128xf32, #tpu.memory_space<hbm>>
      %dma_wait3A_160 = tpu.memref_squeeze %dma_wait3A_159 : memref<1x900x128xf32, #tpu.memory_space<hbm>> -> memref<900x128xf32, #tpu.memory_space<hbm>>
      %dma_wait3A_161 = arith.constant 0 : i32
      %dma_wait3A_162 = tpu.memref_slice %arg4[%select_n3A, %dma_wait3A_161, %add3A_149] : memref<16x900x1024xf32, #tpu.memory_space<hbm>> -> memref<1x900x128xf32, #tpu.memory_space<hbm>>
      %dma_wait3A_163 = tpu.memref_squeeze %dma_wait3A_162 : memref<1x900x128xf32, #tpu.memory_space<hbm>> -> memref<900x128xf32, #tpu.memory_space<hbm>>
      tpu.wait_dma2 semaphore(%run_scoped3A_151 : memref<!tpu.dma_semaphore, #tpu.memory_space<semaphore_mem>>) src(%dma_wait3A_163 : memref<900x128xf32, #tpu.memory_space<hbm>>) dst(%arg8 : memref<900x128xf32, #tpu.memory_space<vmem>>)
      tpu.yield
    }) : () -> ()
    %run_scoped3A_150 = arith.constant 2 : i32
    "tpu.region"() ({
      %run_scoped3A_151 = tpu.sem_alloc : memref<!tpu.dma_semaphore, #tpu.memory_space<semaphore_mem>>
      %dma_start3A_152 = arith.constant 0 : i32
      %dma_start3A_153 = tpu.memref_slice %arg7[%select_n3A, %run_scoped3A_150, %dma_start3A_152, %mul3A_32] : memref<16x3x900x256xf32, #tpu.memory_space<hbm>> -> memref<1x1x900x128xf32, #tpu.memory_space<hbm>>
      %dma_start3A_154 = tpu.memref_squeeze %dma_start3A_153 : memref<1x1x900x128xf32, #tpu.memory_space<hbm>> -> memref<900x128xf32, #tpu.memory_space<hbm>>
      %dma_start3A_155 = arith.constant 0 : i32
      %dma_start3A_156 = tpu.memref_slice %arg7[%select_n3A, %run_scoped3A_150, %dma_start3A_155, %mul3A_32] : memref<16x3x900x256xf32, #tpu.memory_space<hbm>> -> memref<1x1x900x128xf32, #tpu.memory_space<hbm>>
      %dma_start3A_157 = tpu.memref_squeeze %dma_start3A_156 : memref<1x1x900x128xf32, #tpu.memory_space<hbm>> -> memref<900x128xf32, #tpu.memory_space<hbm>>
      tpu.enqueue_dma source(%arg8 : memref<900x128xf32, #tpu.memory_space<vmem>>) target(%dma_start3A_157 : memref<900x128xf32, #tpu.memory_space<hbm>>) target_semaphore(%run_scoped3A_151 : memref<!tpu.dma_semaphore, #tpu.memory_space<semaphore_mem>>)
      %dma_wait3A_158 = arith.constant 0 : i32
      %dma_wait3A_159 = tpu.memref_slice %arg7[%select_n3A, %run_scoped3A_150, %dma_wait3A_158, %mul3A_32] : memref<16x3x900x256xf32, #tpu.memory_space<hbm>> -> memref<1x1x900x128xf32, #tpu.memory_space<hbm>>
      %dma_wait3A_160 = tpu.memref_squeeze %dma_wait3A_159 : memref<1x1x900x128xf32, #tpu.memory_space<hbm>> -> memref<900x128xf32, #tpu.memory_space<hbm>>
      %dma_wait3A_161 = arith.constant 0 : i32
      %dma_wait3A_162 = tpu.memref_slice %arg7[%select_n3A, %run_scoped3A_150, %dma_wait3A_161, %mul3A_32] : memref<16x3x900x256xf32, #tpu.memory_space<hbm>> -> memref<1x1x900x128xf32, #tpu.memory_space<hbm>>
      %dma_wait3A_163 = tpu.memref_squeeze %dma_wait3A_162 : memref<1x1x900x128xf32, #tpu.memory_space<hbm>> -> memref<900x128xf32, #tpu.memory_space<hbm>>
      tpu.wait_dma2 semaphore(%run_scoped3A_151 : memref<!tpu.dma_semaphore, #tpu.memory_space<semaphore_mem>>) src(%arg8 : memref<900x128xf32, #tpu.memory_space<vmem>>) dst(%dma_wait3A_163 : memref<900x128xf32, #tpu.memory_space<hbm>>)
      tpu.yield
    }) : () -> ()
    return
  }
}

module attributes {stable_mosaic.version = 14 : i64} {
  func.func @_tc_smalls(%arg0: memref<16x1x256xf32, #tpu.memory_space<vmem>>, %arg1: memref<16x900xi32, #tpu.memory_space<vmem>>, %arg2: memref<16x1xi32, #tpu.memory_space<vmem>>, %arg3: memref<16x4x256xf32, #tpu.memory_space<vmem>>, %arg4: memref<16x4x1x256xf32, #tpu.memory_space<vmem>>, %arg5: memref<16x4xi32, #tpu.memory_space<vmem>>, %arg6: memref<16x3x900xi8, #tpu.memory_space<vmem>>, %arg7: memref<16x3x1xi8, #tpu.memory_space<vmem>>, %arg8: memref<16x3x1x256xf32, #tpu.memory_space<vmem>>) attributes {dimension_semantics = [], scalar_prefetch = 0 : i64, scratch_operands = 0 : i64, tpu.core_type = #tpu.core_type<tc>} {
    %get3A = arith.constant 0 : index
    %get3A_0 = arith.constant 0 : index
    %get3A_1 = arith.constant 0 : index
    %get3A_2 = vector.load %arg0[%get3A, %get3A_0, %get3A_1] : memref<16x1x256xf32, #tpu.memory_space<vmem>>, vector<16x1x256xf32>
    %swap3A = arith.constant 0 : index
    %swap3A_3 = arith.constant 0 : index
    %swap3A_4 = arith.constant 0 : index
    %swap3A_5 = arith.constant 0 : index
    %swap3A_6 = vector.load %arg4[%swap3A, %swap3A_3, %swap3A_4, %swap3A_5] : memref<16x4x1x256xf32, #tpu.memory_space<vmem>>, vector<16x1x1x256xf32>
    %swap3A_7 = vector.shape_cast %swap3A_6 : vector<16x1x1x256xf32> to vector<16x1x256xf32>
    %swap3A_8 = vector.shape_cast %get3A_2 : vector<16x1x256xf32> to vector<16x1x1x256xf32>
    tpu.vector_store %arg4[%swap3A, %swap3A_3, %swap3A_4, %swap3A_5], %swap3A_8 {strides = array<i32>} : memref<16x4x1x256xf32, #tpu.memory_space<vmem>>, vector<16x1x1x256xf32>,
    %swap3A_9 = arith.constant 0 : index
    %swap3A_10 = arith.constant 1 : index
    %swap3A_11 = arith.constant 0 : index
    %swap3A_12 = arith.constant 0 : index
    %swap3A_13 = vector.load %arg4[%swap3A_9, %swap3A_10, %swap3A_11, %swap3A_12] : memref<16x4x1x256xf32, #tpu.memory_space<vmem>>, vector<16x1x1x256xf32>
    %swap3A_14 = vector.shape_cast %swap3A_13 : vector<16x1x1x256xf32> to vector<16x1x256xf32>
    %swap3A_15 = vector.shape_cast %get3A_2 : vector<16x1x256xf32> to vector<16x1x1x256xf32>
    tpu.vector_store %arg4[%swap3A_9, %swap3A_10, %swap3A_11, %swap3A_12], %swap3A_15 {strides = array<i32>} : memref<16x4x1x256xf32, #tpu.memory_space<vmem>>, vector<16x1x1x256xf32>,
    %swap3A_16 = arith.constant 0 : index
    %swap3A_17 = arith.constant 2 : index
    %swap3A_18 = arith.constant 0 : index
    %swap3A_19 = arith.constant 0 : index
    %swap3A_20 = vector.load %arg4[%swap3A_16, %swap3A_17, %swap3A_18, %swap3A_19] : memref<16x4x1x256xf32, #tpu.memory_space<vmem>>, vector<16x1x1x256xf32>
    %swap3A_21 = vector.shape_cast %swap3A_20 : vector<16x1x1x256xf32> to vector<16x1x256xf32>
    %swap3A_22 = vector.shape_cast %get3A_2 : vector<16x1x256xf32> to vector<16x1x1x256xf32>
    tpu.vector_store %arg4[%swap3A_16, %swap3A_17, %swap3A_18, %swap3A_19], %swap3A_22 {strides = array<i32>} : memref<16x4x1x256xf32, #tpu.memory_space<vmem>>, vector<16x1x1x256xf32>,
    %swap3A_23 = arith.constant 0 : index
    %swap3A_24 = arith.constant 3 : index
    %swap3A_25 = arith.constant 0 : index
    %swap3A_26 = arith.constant 0 : index
    %swap3A_27 = vector.load %arg4[%swap3A_23, %swap3A_24, %swap3A_25, %swap3A_26] : memref<16x4x1x256xf32, #tpu.memory_space<vmem>>, vector<16x1x1x256xf32>
    %swap3A_28 = vector.shape_cast %swap3A_27 : vector<16x1x1x256xf32> to vector<16x1x256xf32>
    %swap3A_29 = vector.shape_cast %get3A_2 : vector<16x1x256xf32> to vector<16x1x1x256xf32>
    tpu.vector_store %arg4[%swap3A_23, %swap3A_24, %swap3A_25, %swap3A_26], %swap3A_29 {strides = array<i32>} : memref<16x4x1x256xf32, #tpu.memory_space<vmem>>, vector<16x1x1x256xf32>,
    %broadcast_in_dim3A = arith.constant 0 : i32
    %broadcast_in_dim3A_30 = vector.broadcast %broadcast_in_dim3A : i32 to vector<16x4xi32>
    %swap3A_31 = arith.constant 0 : index
    %swap3A_32 = arith.constant 0 : index
    %swap3A_33 = vector.load %arg5[%swap3A_31, %swap3A_32] : memref<16x4xi32, #tpu.memory_space<vmem>>, vector<16x4xi32>
    tpu.vector_store %arg5[%swap3A_31, %swap3A_32], %broadcast_in_dim3A_30 {strides = array<i32>} : memref<16x4xi32, #tpu.memory_space<vmem>>, vector<16x4xi32>,
    %get3A_34 = arith.constant 0 : index
    %get3A_35 = arith.constant 0 : index
    %get3A_36 = vector.load %arg1[%get3A_34, %get3A_35] : memref<16x900xi32, #tpu.memory_space<vmem>>, vector<16x900xi32>
    %shift_right_arithmetic3A = arith.constant 0 : i32
    %shift_right_arithmetic3A_37 = vector.broadcast %shift_right_arithmetic3A : i32 to vector<16x900xi32>
    %shift_right_arithmetic3A_38 = arith.shrsi %get3A_36, %shift_right_arithmetic3A_37 : vector<16x900xi32>
    %and3A = arith.constant 1 : i32
    %and3A_39 = vector.broadcast %and3A : i32 to vector<16x900xi32>
    %and3A_40 = arith.andi %shift_right_arithmetic3A_38, %and3A_39 : vector<16x900xi32>
    %convert_element_type3A = arith.trunci %and3A_40 : vector<16x900xi32> to vector<16x900xi8>
    %swap3A_41 = arith.constant 0 : index
    %swap3A_42 = arith.constant 0 : index
    %swap3A_43 = arith.constant 0 : index
    %swap3A_44 = vector.load %arg6[%swap3A_41, %swap3A_42, %swap3A_43] : memref<16x3x900xi8, #tpu.memory_space<vmem>>, vector<16x1x900xi8>
    %swap3A_45 = vector.shape_cast %swap3A_44 : vector<16x1x900xi8> to vector<16x900xi8>
    %swap3A_46 = vector.shape_cast %convert_element_type3A : vector<16x900xi8> to vector<16x1x900xi8>
    tpu.vector_store %arg6[%swap3A_41, %swap3A_42, %swap3A_43], %swap3A_46 {strides = array<i32>} : memref<16x3x900xi8, #tpu.memory_space<vmem>>, vector<16x1x900xi8>,
    %shift_right_arithmetic3A_47 = arith.constant 8 : i32
    %shift_right_arithmetic3A_48 = vector.broadcast %shift_right_arithmetic3A_47 : i32 to vector<16x900xi32>
    %shift_right_arithmetic3A_49 = arith.shrsi %get3A_36, %shift_right_arithmetic3A_48 : vector<16x900xi32>
    %and3A_50 = arith.constant 1 : i32
    %and3A_51 = vector.broadcast %and3A_50 : i32 to vector<16x900xi32>
    %and3A_52 = arith.andi %shift_right_arithmetic3A_49, %and3A_51 : vector<16x900xi32>
    %convert_element_type3A_53 = arith.trunci %and3A_52 : vector<16x900xi32> to vector<16x900xi8>
    %swap3A_54 = arith.constant 0 : index
    %swap3A_55 = arith.constant 1 : index
    %swap3A_56 = arith.constant 0 : index
    %swap3A_57 = vector.load %arg6[%swap3A_54, %swap3A_55, %swap3A_56] : memref<16x3x900xi8, #tpu.memory_space<vmem>>, vector<16x1x900xi8>
    %swap3A_58 = vector.shape_cast %swap3A_57 : vector<16x1x900xi8> to vector<16x900xi8>
    %swap3A_59 = vector.shape_cast %convert_element_type3A_53 : vector<16x900xi8> to vector<16x1x900xi8>
    tpu.vector_store %arg6[%swap3A_54, %swap3A_55, %swap3A_56], %swap3A_59 {strides = array<i32>} : memref<16x3x900xi8, #tpu.memory_space<vmem>>, vector<16x1x900xi8>,
    %shift_right_arithmetic3A_60 = arith.constant 16 : i32
    %shift_right_arithmetic3A_61 = vector.broadcast %shift_right_arithmetic3A_60 : i32 to vector<16x900xi32>
    %shift_right_arithmetic3A_62 = arith.shrsi %get3A_36, %shift_right_arithmetic3A_61 : vector<16x900xi32>
    %and3A_63 = arith.constant 1 : i32
    %and3A_64 = vector.broadcast %and3A_63 : i32 to vector<16x900xi32>
    %and3A_65 = arith.andi %shift_right_arithmetic3A_62, %and3A_64 : vector<16x900xi32>
    %convert_element_type3A_66 = arith.trunci %and3A_65 : vector<16x900xi32> to vector<16x900xi8>
    %swap3A_67 = arith.constant 0 : index
    %swap3A_68 = arith.constant 2 : index
    %swap3A_69 = arith.constant 0 : index
    %swap3A_70 = vector.load %arg6[%swap3A_67, %swap3A_68, %swap3A_69] : memref<16x3x900xi8, #tpu.memory_space<vmem>>, vector<16x1x900xi8>
    %swap3A_71 = vector.shape_cast %swap3A_70 : vector<16x1x900xi8> to vector<16x900xi8>
    %swap3A_72 = vector.shape_cast %convert_element_type3A_66 : vector<16x900xi8> to vector<16x1x900xi8>
    tpu.vector_store %arg6[%swap3A_67, %swap3A_68, %swap3A_69], %swap3A_72 {strides = array<i32>} : memref<16x3x900xi8, #tpu.memory_space<vmem>>, vector<16x1x900xi8>,
    %get3A_73 = arith.constant 0 : index
    %get3A_74 = arith.constant 0 : index
    %get3A_75 = vector.load %arg2[%get3A_73, %get3A_74] : memref<16x1xi32, #tpu.memory_space<vmem>>, vector<16x1xi32>
    %shift_right_arithmetic3A_76 = arith.constant 0 : i32
    %shift_right_arithmetic3A_77 = vector.broadcast %shift_right_arithmetic3A_76 : i32 to vector<16x1xi32>
    %shift_right_arithmetic3A_78 = arith.shrsi %get3A_75, %shift_right_arithmetic3A_77 : vector<16x1xi32>
    %and3A_79 = arith.constant 1 : i32
    %and3A_80 = vector.broadcast %and3A_79 : i32 to vector<16x1xi32>
    %and3A_81 = arith.andi %shift_right_arithmetic3A_78, %and3A_80 : vector<16x1xi32>
    %shift_right_arithmetic3A_82 = arith.constant 8 : i32
    %shift_right_arithmetic3A_83 = vector.broadcast %shift_right_arithmetic3A_82 : i32 to vector<16x1xi32>
    %shift_right_arithmetic3A_84 = arith.shrsi %get3A_75, %shift_right_arithmetic3A_83 : vector<16x1xi32>
    %and3A_85 = arith.constant 1 : i32
    %and3A_86 = vector.broadcast %and3A_85 : i32 to vector<16x1xi32>
    %and3A_87 = arith.andi %shift_right_arithmetic3A_84, %and3A_86 : vector<16x1xi32>
    %shift_right_arithmetic3A_88 = arith.constant 16 : i32
    %shift_right_arithmetic3A_89 = vector.broadcast %shift_right_arithmetic3A_88 : i32 to vector<16x1xi32>
    %shift_right_arithmetic3A_90 = arith.shrsi %get3A_75, %shift_right_arithmetic3A_89 : vector<16x1xi32>
    %and3A_91 = arith.constant 1 : i32
    %and3A_92 = vector.broadcast %and3A_91 : i32 to vector<16x1xi32>
    %and3A_93 = arith.andi %shift_right_arithmetic3A_90, %and3A_92 : vector<16x1xi32>
    %convert_element_type3A_94 = arith.trunci %and3A_81 : vector<16x1xi32> to vector<16x1xi8>
    %swap3A_95 = arith.constant 0 : index
    %swap3A_96 = arith.constant 0 : index
    %swap3A_97 = arith.constant 0 : index
    %swap3A_98 = vector.load %arg7[%swap3A_95, %swap3A_96, %swap3A_97] : memref<16x3x1xi8, #tpu.memory_space<vmem>>, vector<16x1x1xi8>
    %swap3A_99 = vector.shape_cast %swap3A_98 : vector<16x1x1xi8> to vector<16x1xi8>
    %swap3A_100 = vector.shape_cast %convert_element_type3A_94 : vector<16x1xi8> to vector<16x1x1xi8>
    tpu.vector_store %arg7[%swap3A_95, %swap3A_96, %swap3A_97], %swap3A_100 {strides = array<i32>} : memref<16x3x1xi8, #tpu.memory_space<vmem>>, vector<16x1x1xi8>,
    %convert_element_type3A_101 = arith.trunci %and3A_87 : vector<16x1xi32> to vector<16x1xi8>
    %swap3A_102 = arith.constant 0 : index
    %swap3A_103 = arith.constant 1 : index
    %swap3A_104 = arith.constant 0 : index
    %swap3A_105 = vector.load %arg7[%swap3A_102, %swap3A_103, %swap3A_104] : memref<16x3x1xi8, #tpu.memory_space<vmem>>, vector<16x1x1xi8>
    %swap3A_106 = vector.shape_cast %swap3A_105 : vector<16x1x1xi8> to vector<16x1xi8>
    %swap3A_107 = vector.shape_cast %convert_element_type3A_101 : vector<16x1xi8> to vector<16x1x1xi8>
    tpu.vector_store %arg7[%swap3A_102, %swap3A_103, %swap3A_104], %swap3A_107 {strides = array<i32>} : memref<16x3x1xi8, #tpu.memory_space<vmem>>, vector<16x1x1xi8>,
    %convert_element_type3A_108 = arith.trunci %and3A_93 : vector<16x1xi32> to vector<16x1xi8>
    %swap3A_109 = arith.constant 0 : index
    %swap3A_110 = arith.constant 2 : index
    %swap3A_111 = arith.constant 0 : index
    %swap3A_112 = vector.load %arg7[%swap3A_109, %swap3A_110, %swap3A_111] : memref<16x3x1xi8, #tpu.memory_space<vmem>>, vector<16x1x1xi8>
    %swap3A_113 = vector.shape_cast %swap3A_112 : vector<16x1x1xi8> to vector<16x1xi8>
    %swap3A_114 = vector.shape_cast %convert_element_type3A_108 : vector<16x1xi8> to vector<16x1x1xi8>
    tpu.vector_store %arg7[%swap3A_109, %swap3A_110, %swap3A_111], %swap3A_114 {strides = array<i32>} : memref<16x3x1xi8, #tpu.memory_space<vmem>>, vector<16x1x1xi8>,
    %add3A = arith.addi %and3A_81, %and3A_87 : vector<16x1xi32>
    %add3A_115 = arith.addi %add3A, %and3A_93 : vector<16x1xi32>
    %eq3A = arith.constant 3 : i32
    %eq3A_116 = vector.broadcast %eq3A : i32 to vector<16x1xi32>
    %eq3A_117 = arith.cmpi eq, %add3A_115, %eq3A_116 : vector<16x1xi32>
    %eq3A_118 = arith.constant 0 : i32
    %eq3A_119 = vector.broadcast %eq3A_118 : i32 to vector<16x1xi32>
    %eq3A_120 = arith.cmpi eq, %and3A_81, %eq3A_119 : vector<16x1xi32>
    %eq3A_121 = arith.constant 0 : i32
    %eq3A_122 = vector.broadcast %eq3A_121 : i32 to vector<16x1xi32>
    %eq3A_123 = arith.cmpi eq, %and3A_87, %eq3A_122 : vector<16x1xi32>
    %jit3A = arith.constant 1 : i32
    %jit3A_124 = arith.constant 2 : i32
    %broadcast_in_dim3A_125 = vector.broadcast %jit3A : i32 to vector<16x1xi32>
    %broadcast_in_dim3A_126 = vector.broadcast %jit3A_124 : i32 to vector<16x1xi32>
    %select_n3A = arith.select %eq3A_123, %broadcast_in_dim3A_125, %broadcast_in_dim3A_126 : vector<16x1xi1>, vector<16x1xi32>
    %jit3A_127 = arith.constant 0 : i32
    %broadcast_in_dim3A_128 = vector.broadcast %jit3A_127 : i32 to vector<16x1xi32>
    %select_n3A_129 = arith.select %eq3A_120, %broadcast_in_dim3A_128, %select_n3A : vector<16x1xi1>, vector<16x1xi32>
    %get3A_130 = arith.constant 0 : index
    %get3A_131 = arith.constant 0 : index
    %get3A_132 = arith.constant 0 : index
    %get3A_133 = vector.load %arg3[%get3A_130, %get3A_131, %get3A_132] : memref<16x4x256xf32, #tpu.memory_space<vmem>>, vector<16x1x256xf32>
    %get3A_134 = vector.shape_cast %get3A_133 : vector<16x1x256xf32> to vector<16x256xf32>
    %get3A_135 = arith.constant 0 : index
    %get3A_136 = arith.constant 1 : index
    %get3A_137 = arith.constant 0 : index
    %get3A_138 = vector.load %arg3[%get3A_135, %get3A_136, %get3A_137] : memref<16x4x256xf32, #tpu.memory_space<vmem>>, vector<16x1x256xf32>
    %get3A_139 = vector.shape_cast %get3A_138 : vector<16x1x256xf32> to vector<16x256xf32>
    %get3A_140 = arith.constant 0 : index
    %get3A_141 = arith.constant 2 : index
    %get3A_142 = arith.constant 0 : index
    %get3A_143 = vector.load %arg3[%get3A_140, %get3A_141, %get3A_142] : memref<16x4x256xf32, #tpu.memory_space<vmem>>, vector<16x1x256xf32>
    %get3A_144 = vector.shape_cast %get3A_143 : vector<16x1x256xf32> to vector<16x256xf32>
    %get3A_145 = arith.constant 0 : index
    %get3A_146 = arith.constant 3 : index
    %get3A_147 = arith.constant 0 : index
    %get3A_148 = vector.load %arg3[%get3A_145, %get3A_146, %get3A_147] : memref<16x4x256xf32, #tpu.memory_space<vmem>>, vector<16x1x256xf32>
    %get3A_149 = vector.shape_cast %get3A_148 : vector<16x1x256xf32> to vector<16x256xf32>
    %eq3A_150 = arith.constant 0 : i32
    %eq3A_151 = vector.broadcast %eq3A_150 : i32 to vector<16x1xi32>
    %eq3A_152 = arith.cmpi eq, %select_n3A_129, %eq3A_151 : vector<16x1xi32>
    %eq3A_153 = arith.constant 1 : i32
    %eq3A_154 = vector.broadcast %eq3A_153 : i32 to vector<16x1xi32>
    %eq3A_155 = arith.cmpi eq, %select_n3A_129, %eq3A_154 : vector<16x1xi32>
    %broadcast_in_dim3A_156 = vector.shape_cast %eq3A_155 : vector<16x1xi1> to vector<16x1xi1>
    %broadcast_in_dim3A_157 = vector.broadcast %broadcast_in_dim3A_156 : vector<16x1xi1> to vector<16x256xi1>
    %select_n3A_158 = arith.select %broadcast_in_dim3A_157, %get3A_139, %get3A_144 : vector<16x256xi1>, vector<16x256xf32>
    %broadcast_in_dim3A_159 = vector.shape_cast %eq3A_152 : vector<16x1xi1> to vector<16x1xi1>
    %broadcast_in_dim3A_160 = vector.broadcast %broadcast_in_dim3A_159 : vector<16x1xi1> to vector<16x256xi1>
    %select_n3A_161 = arith.select %broadcast_in_dim3A_160, %get3A_134, %select_n3A_158 : vector<16x256xi1>, vector<16x256xf32>
    %gt3A = arith.constant 0 : i32
    %gt3A_162 = vector.broadcast %gt3A : i32 to vector<16x1xi32>
    %gt3A_163 = arith.cmpi sgt, %select_n3A_129, %gt3A_162 : vector<16x1xi32>
    %broadcast_in_dim3A_164 = vector.shape_cast %gt3A_163 : vector<16x1xi1> to vector<16x1xi1>
    %broadcast_in_dim3A_165 = vector.broadcast %broadcast_in_dim3A_164 : vector<16x1xi1> to vector<16x256xi1>
    %select_n3A_166 = arith.select %broadcast_in_dim3A_165, %select_n3A_161, %get3A_134 : vector<16x256xi1>, vector<16x256xf32>
    %broadcast_in_dim3A_167 = vector.shape_cast %eq3A_117 : vector<16x1xi1> to vector<16x1xi1>
    %broadcast_in_dim3A_168 = vector.broadcast %broadcast_in_dim3A_167 : vector<16x1xi1> to vector<16x256xi1>
    %select_n3A_169 = arith.select %broadcast_in_dim3A_168, %get3A_149, %select_n3A_166 : vector<16x256xi1>, vector<16x256xf32>
    %swap3A_170 = arith.constant 0 : index
    %swap3A_171 = arith.constant 0 : index
    %swap3A_172 = arith.constant 0 : index
    %swap3A_173 = arith.constant 0 : index
    %swap3A_174 = vector.load %arg8[%swap3A_170, %swap3A_171, %swap3A_172, %swap3A_173] : memref<16x3x1x256xf32, #tpu.memory_space<vmem>>, vector<16x1x1x256xf32>
    %swap3A_175 = vector.shape_cast %swap3A_174 : vector<16x1x1x256xf32> to vector<16x256xf32>
    %swap3A_176 = vector.shape_cast %select_n3A_169 : vector<16x256xf32> to vector<16x1x1x256xf32>
    tpu.vector_store %arg8[%swap3A_170, %swap3A_171, %swap3A_172, %swap3A_173], %swap3A_176 {strides = array<i32>} : memref<16x3x1x256xf32, #tpu.memory_space<vmem>>, vector<16x1x1x256xf32>,
    %gt3A_177 = arith.constant 1 : i32
    %gt3A_178 = vector.broadcast %gt3A_177 : i32 to vector<16x1xi32>
    %gt3A_179 = arith.cmpi sgt, %select_n3A_129, %gt3A_178 : vector<16x1xi32>
    %broadcast_in_dim3A_180 = vector.shape_cast %gt3A_179 : vector<16x1xi1> to vector<16x1xi1>
    %broadcast_in_dim3A_181 = vector.broadcast %broadcast_in_dim3A_180 : vector<16x1xi1> to vector<16x256xi1>
    %select_n3A_182 = arith.select %broadcast_in_dim3A_181, %select_n3A_161, %get3A_139 : vector<16x256xi1>, vector<16x256xf32>
    %broadcast_in_dim3A_183 = vector.shape_cast %eq3A_117 : vector<16x1xi1> to vector<16x1xi1>
    %broadcast_in_dim3A_184 = vector.broadcast %broadcast_in_dim3A_183 : vector<16x1xi1> to vector<16x256xi1>
    %select_n3A_185 = arith.select %broadcast_in_dim3A_184, %get3A_149, %select_n3A_182 : vector<16x256xi1>, vector<16x256xf32>
    %swap3A_186 = arith.constant 0 : index
    %swap3A_187 = arith.constant 1 : index
    %swap3A_188 = arith.constant 0 : index
    %swap3A_189 = arith.constant 0 : index
    %swap3A_190 = vector.load %arg8[%swap3A_186, %swap3A_187, %swap3A_188, %swap3A_189] : memref<16x3x1x256xf32, #tpu.memory_space<vmem>>, vector<16x1x1x256xf32>
    %swap3A_191 = vector.shape_cast %swap3A_190 : vector<16x1x1x256xf32> to vector<16x256xf32>
    %swap3A_192 = vector.shape_cast %select_n3A_185 : vector<16x256xf32> to vector<16x1x1x256xf32>
    tpu.vector_store %arg8[%swap3A_186, %swap3A_187, %swap3A_188, %swap3A_189], %swap3A_192 {strides = array<i32>} : memref<16x3x1x256xf32, #tpu.memory_space<vmem>>, vector<16x1x1x256xf32>,
    %gt3A_193 = arith.constant 2 : i32
    %gt3A_194 = vector.broadcast %gt3A_193 : i32 to vector<16x1xi32>
    %gt3A_195 = arith.cmpi sgt, %select_n3A_129, %gt3A_194 : vector<16x1xi32>
    %broadcast_in_dim3A_196 = vector.shape_cast %gt3A_195 : vector<16x1xi1> to vector<16x1xi1>
    %broadcast_in_dim3A_197 = vector.broadcast %broadcast_in_dim3A_196 : vector<16x1xi1> to vector<16x256xi1>
    %select_n3A_198 = arith.select %broadcast_in_dim3A_197, %select_n3A_161, %get3A_144 : vector<16x256xi1>, vector<16x256xf32>
    %broadcast_in_dim3A_199 = vector.shape_cast %eq3A_117 : vector<16x1xi1> to vector<16x1xi1>
    %broadcast_in_dim3A_200 = vector.broadcast %broadcast_in_dim3A_199 : vector<16x1xi1> to vector<16x256xi1>
    %select_n3A_201 = arith.select %broadcast_in_dim3A_200, %get3A_149, %select_n3A_198 : vector<16x256xi1>, vector<16x256xf32>
    %swap3A_202 = arith.constant 0 : index
    %swap3A_203 = arith.constant 2 : index
    %swap3A_204 = arith.constant 0 : index
    %swap3A_205 = arith.constant 0 : index
    %swap3A_206 = vector.load %arg8[%swap3A_202, %swap3A_203, %swap3A_204, %swap3A_205] : memref<16x3x1x256xf32, #tpu.memory_space<vmem>>, vector<16x1x1x256xf32>
    %swap3A_207 = vector.shape_cast %swap3A_206 : vector<16x1x1x256xf32> to vector<16x256xf32>
    %swap3A_208 = vector.shape_cast %select_n3A_201 : vector<16x256xf32> to vector<16x1x1x256xf32>
    tpu.vector_store %arg8[%swap3A_202, %swap3A_203, %swap3A_204, %swap3A_205], %swap3A_208 {strides = array<i32>} : memref<16x3x1x256xf32, #tpu.memory_space<vmem>>, vector<16x1x1x256xf32>,
    return
  }
}

</mosaic_0001>

<sc_bundles>
// kernel: kernel.4.cloned.1.call-start
scs
__scs_entry_jumppad:
0x0: {  	(pc) =	sbr.rel $0x88, $3  }
0x1: {  	(tag) =	ssettag $0x0;
	lr =	simm.s32 $0x1  }
0x2: {  	[smem:$0x3F9A] =	sst lr;
	_ =	strace $0xD0000000  }
0x3: {  	_ = 	snop  }
0x4: {  	_ = 	snop  }
0x5: {  	_ = 	snop  }
0x6: {  	_ = 	snop  }
0x7: {  	_ = 	snop  }
__scs_overlays_trampoline_lowered:
0x8: {  	[smem:$0x3FA9] =	sst s0  }
0x9: {  	[smem:$0x3FAA] =	sst s1  }
0xa: {  	[smem:$0x3FAB] =	sst s2  }
0xb: {  	[smem:$0x3FAC] =	sst s3  }
0xc: {  	[smem:$0x3FAD] =	sst s4  }
0xd: {  	[smem:$0x3FAE] =	sst s5  }
0xe: {  	[smem:$0x3FAF] =	sst s6  }
0xf: {  	[smem:$0x3FB0] =	sst s7  }
0x10: {  	[smem:$0x3FB1] =	sst s8  }
0x11: {  	[smem:$0x3FB2] =	sst s9;
	s0 =	simm.s32 @!p0 $0x0  }
0x12: {  	s1 =	sld [smem:$0x3F98];
	s0 =	simm.s32 @p0 $0x1  }
0x13: {  	[smem:$0x3FB3] =	sst s0;
	s0 =	simm.s32 @!p1 $0x0  }
0x14: {  	s2 =	sld [smem:$0x3F97];
	s0 =	simm.s32 @p1 $0x1  }
0x15: {  	[smem:$0x3FB4] =	sst s0;
	s0 =	simm.s32 @!p2 $0x0  }
0x16: {  	s3 =	sld [smem:$0x3FDB];
	s0 =	simm.s32 @p2 $0x1  }
0x17: {  	s4 =	simm.s32 $0x1BF5;
	[smem:$0x3FB6] =	sst s0  }
0x18: {  	s0 =	sld [smem:$0x3F99];
	_ =	swait.ge [sflag:s4], $0x0  }
0x19: {  	s7 =	sld [smem:$0x3F9A]  }
0x1a: {  	s8 =	sadd.s32 $0xFFFFE003, lr  }
0x1b: {  	s9 =	sadd.s32 $0xFFFFFEF7, lr;
	s5 =	simm.s32 $0xFFFFFFFF;
	p2 =	slt.u32 s8, $0xFFFFF086  }
0x1c: {  	p1 =	slt.u32 s9, $0xF7A;
	s5 =	simm.s32 @!p2 $0x0  }
0x1d: {  	s5 =	simm.s32 @p1 $0x1;
	p0 =	seq.s32 s7, s2  }
0x1e: {  	s7 =	smul.u32 @!p0 $0xF7A, s2;
	p2 =	seq.s32 @!p0 s5, $0x0  }
0x1f: {  	s9 =	smul.u32 $0xF7A, s1;
	s8 =	simm.s32 @!p0 $0x1BF5;
	p2 =	por !p2, p0  }
0x20: {  	[sflag:s8] =	ssyncset.s32 @!p0 $0xFFFFF086;
	s6 =	sadd.s32 @!p0 s3, s7;
	s7 =	simm.s32 @!p0 $0x108  }
0x21: {  	s3 =	sadd.s32 s3, s9;
	s6 =	sadd.s32 @!p0 $0x88, s6;
	s7 =	simm.s32 @p2 $0x1082  }
0x22: {  	[simem:s7], [sflag:s8] =	dma.local @!p0 [hbm:s6], $0xF7A  }
0x23: {  	s9 =	sor.u32 $0xD0000000, s2;
	s6 =	simm.s32 $0x108;
	_ =	swait.ge @!p0 [sflag:s8], $0x0  }
0x24: {  	s3 =	sadd.s32 $0x88, s3;
	s6 =	simm.s32 @!p1 $0x1082;
	[sflag:s4] =	ssyncset.s32 $0xFFFFF086  }
0x25: {  	[simem:s6], [sflag:s4] =	dma.local [hbm:s3], $0xF7A  }
0x26: {  	[smem:$0x3F9A] =	sst s1;
	(tag) =	ssettag s2;
	_ =	strace s9  }
0x27: {  	s1 =	sld [smem:$0x3FAA]  }
0x28: {  	s2 =	sld [smem:$0x3FAB]  }
0x29: {  	s4 =	sld [smem:$0x3FAD]  }
0x2a: {  	p0 =	seq.s32 s5, $0x0;
	s5 =	sld [smem:$0x3FAE]  }
0x2b: {  	s6 =	sld [smem:$0x3FAF]  }
0x2c: {  	s7 =	sld [smem:$0x3FB0]  }
0x2d: {  	s3 =	simm.s32 $0x108;
	s8 =	sld [smem:$0x3FB1]  }
0x2e: {  	s3 =	simm.s32 @!p0 $0x1082;
	s9 =	sld [smem:$0x3FB2]  }
0x2f: {  	lr =	sadd.s32 s0, s3;
	s0 =	sld [smem:$0x3FA9]  }
0x30: {  	s3 =	sld [smem:$0x3FAC]  }
0x31: {  	[smem:$0x3FB5] =	sst s10  }
0x32: {  	s10 =	sld [smem:$0x3FB3];
	_ =	sdelay $0x3  }
0x33: {  	p0 =	seq.s32 s10, $0x1;
	s10 =	sld [smem:$0x3FB5];
	_ =	sdelay $0x3  }
0x34: {  	[smem:$0x3FB5] =	sst s10  }
0x35: {  	s10 =	sld [smem:$0x3FB4];
	_ =	sdelay $0x3  }
0x36: {  	p1 =	seq.s32 s10, $0x1;
	s10 =	sld [smem:$0x3FB5];
	_ =	sdelay $0x3  }
0x37: {  	[smem:$0x3FB5] =	sst s10  }
0x38: {  	s10 =	sld [smem:$0x3FB6]  }
0x39: {  	_ = 	snop;
	(pc) =	sbr.ind lr, $3  }
0x3a: {  	_ = 	snop  }
0x3b: {  	_ = 	snop  }
0x3c: {  	p2 =	seq.s32 s10, $0x1;
	s10 =	sld [smem:$0x3FB5]  }
0x3d: {  	_ =	shalt  }
0x3e: {  	_ =	shalt  }
0x3f: {  	_ =	shalt  }
0x40: {  	_ =	shalt  }
0x41: {  	_ =	shalt  }
0x42: {  	_ =	shalt  }
0x43: {  	_ =	shalt  }
0x44: {  	_ =	shalt  }
0x45: {  	_ =	shalt  }
0x46: {  	_ =	shalt  }
0x47: {  	_ =	shalt  }
0x48: {  	_ =	shalt  }
0x49: {  	_ =	shalt  }
0x4a: {  	_ =	shalt  }
0x4b: {  	_ =	shalt  }
0x4c: {  	_ =	shalt  }
0x4d: {  	_ =	shalt  }
0x4e: {  	_ =	shalt  }
0x4f: {  	_ =	shalt  }
0x50: {  	_ =	shalt  }
0x51: {  	_ =	shalt  }
0x52: {  	_ =	shalt  }
0x53: {  	_ =	shalt  }
0x54: {  	_ =	shalt  }
0x55: {  	_ =	shalt  }
0x56: {  	_ =	shalt  }
0x57: {  	_ =	shalt  }
0x58: {  	_ =	shalt  }
0x59: {  	_ =	shalt  }
0x5a: {  	_ =	shalt  }
0x5b: {  	_ =	shalt  }
0x5c: {  	_ =	shalt  }
0x5d: {  	_ =	shalt  }
0x5e: {  	_ =	shalt  }
0x5f: {  	_ =	shalt  }
0x60: {  	_ =	shalt  }
0x61: {  	_ =	shalt  }
0x62: {  	_ =	shalt  }
0x63: {  	_ =	shalt  }
0x64: {  	_ =	shalt  }
0x65: {  	_ =	shalt  }
0x66: {  	_ =	shalt  }
0x67: {  	_ =	shalt  }
0x68: {  	_ =	shalt  }
0x69: {  	_ =	shalt  }
0x6a: {  	_ =	shalt  }
0x6b: {  	_ =	shalt  }
0x6c: {  	_ =	shalt  }
0x6d: {  	_ =	shalt  }
0x6e: {  	_ =	shalt  }
0x6f: {  	_ =	shalt  }
0x70: {  	_ =	shalt  }
0x71: {  	_ =	shalt  }
0x72: {  	_ =	shalt  }
0x73: {  	_ =	shalt  }
0x74: {  	_ =	shalt  }
0x75: {  	_ =	shalt  }
0x76: {  	_ =	shalt  }
0x77: {  	_ =	shalt  }
0x78: {  	_ =	shalt  }
0x79: {  	_ =	shalt  }
0x7a: {  	_ =	shalt  }
0x7b: {  	_ =	shalt  }
0x7c: {  	_ =	shalt  }
0x7d: {  	_ =	shalt  }
0x7e: {  	_ =	shalt  }
0x7f: {  	_ =	shalt  }
0x80: {  	_ =	shalt  }
0x81: {  	_ =	shalt  }
0x82: {  	_ =	shalt  }
0x83: {  	_ =	shalt  }
0x84: {  	_ =	shalt  }
0x85: {  	_ =	shalt  }
0x86: {  	_ =	shalt  }
0x87: {  	_ =	shalt  }
.Lfunc_end0:
.L_simem_size_0:
called_computation_lowered:
.L_overlay_start_0:
0x88: {  	s2 =	sld [smem:$0x3FD9]  }
0x89: {  	s3 =	sld [smem:$0x3FFE];
	_ =	sdelay $0x1  }
0x8a: {  	s1 =	srdreg.scid  }
0x8b: {  	s0 =	sand.u32 $0x1, s1  }
0x8c: {  	s14 =	sshll.u32 s0, $0xA;
	s2 =	sadd.s32 s3, s2  }
0x8d: {  	s2 =	sadd.s32 s2, s14  }
0x8e: {  	[smem:$0x3FC1] =	sst s2  }
0x8f: {  	_ = 	snop  }
0x90: {  	s2 =	sld [smem:$0x3FD0];
	_ =	sdelay $0x2  }
0x91: {  	s15 =	simm.s32 $0xA;
	s4 =	simm.s32 $0x10  }
0x92: {  	[smem:s4], [sflag:s15] =	dma.local [hbm:s2], $0x1  }
0x93: {  	_ =	swait.eq [sflag:s15], $0x1  }
0x94: {  	[sflag:s15] =	ssyncset.done $0x0  }
0x95: {  	s16 =	sld [smem:$0x11];
	[sflag:s15] =	ssyncadd.s32 $0xFFFFFFFF  }
0x96: {  	s17 =	sld [smem:$0x15];
	(tm) =	ssettm $0x1  }
0x97: {  	s18 =	sld [smem:$0x3FFB];
	_ =	sdelay $0x3  }
0x98: {  	_ =	strace s18  }
0x99: {  	s4 =	sld [smem:$0x3FFC];
	_ =	sdelay $0x3  }
0x9a: {  	_ =	strace s4  }
0x9b: {  	s4 =	sld [smem:$0x3FFD];
	_ =	sdelay $0x3  }
0x9c: {  	_ =	strace s4  }
0x9d: {  	_ =	strace $0x8FFFFFFF  }
0x9e: {  	s19 =	sld [smem:$0x3FDB];
	_ =	sdelay $0x1  }
0x9f: {  	s5 =	simm.s32 $_scs_section_size  }
0xa0: {  	s6 =	simm.s32 $_size__tile_overlayer_lowered;
	s7 =	simm.s32 $_tile_overlayer_lowered  }
0xa1: {  	s22 =	simm.s32 $0x1BFF;
	s21 =	sshll.u32 s7, $0x1;
	s4 =	sadd.s32 s5, s19  }
0xa2: {  	s8 =	simm.s32 $0x0;
	s20 =	sshll.u32 s6, $0x1;
	s6 =	sadd.s32 s21, s4  }
0xa3: {  	[timem:s8], [sflag:s22] =	dma.local [hbm:s6], s20  }
0xa4: {  	_ =	swait.ge [sflag:s22], s20  }
0xa5: {  	s5 =	ssub.s32 $0x0, s20;
	[sflag:s22] =	ssyncset.done $0x0  }
0xa6: {  	[sflag:s22] =	ssyncadd.s32 s5;
	_ =	sdelay $0x1  }
0xa7: {  	s23 =	simm.s32 $0x1B8B  }
0xa8: {  	_ =	swait.ge [sflag:s23], $0x1  }
0xa9: {  	[sflag:s23] =	ssyncset.done $0x0  }
0xaa: {  	s25 =	simm.s32 $0x1B8E;
	s24 =	sld [smem:$0x3FFE];
	[sflag:s23] =	ssyncadd.s32 $0xFFFFFFFF  }
0xab: {  	s26 =	simm.s32 $execute0_lowered;
	[smem:$0x3FD2] =	sst s25  }
0xac: {  	s6 =	sshll.u32 s26, $0x1;
	_ =	strace $0x80000046;
	[dreg:$0x1] =	wrdreg $0xFFFFFFFF  }
0xad: {  	s28 =	simm.s32 $_size_execute0_lowered;
	s4 =	sadd.s32 s4, s6;
	[dreg:$0x0] =	wrdreg $0x0  }
0xae: {  	s6 =	sshll.u32 s28, $0x1;
	[dreg:$0x2] =	wrdreg s4  }
0xaf: {  	[dreg:$0x3] =	wrdreg s6  }
0xb0: {  	[dreg:$0x4] =	wrdreg $0xC0  }
0xb1: {  	_ =	task [dreg:s8], $0x5FFFF  }
0xb2: {  	[dreg:$0x1] =	wrdreg $0xFFFFFFFF  }
0xb3: {  	[dreg:$0x0] =	wrdreg $0x60  }
0xb4: {  	[dreg:$0x2] =	wrdreg s17  }
0xb5: {  	[dreg:$0x3] =	wrdreg s16  }
0xb6: {  	[dreg:$0x4] =	wrdreg s24  }
0xb7: {  	[dreg:$0x5] =	wrdreg $0x9  }
0xb8: {  	_ =	task.clear_ibuf [dreg:s8], $0x6FFFF;
	_ =	strace $0x90000046  }
0xb9: {  	s29 =	simm.s32 $0x9;
	_ =	strace $0x80000048  }
0xba: {  	_ =	swait.ge [sflag:s29], $0x1  }
0xbb: {  	[sflag:s29] =	ssyncadd.s32 $0xFFFFFFFF  }
0xbc: {  	_ =	strace $0x90000048  }
0xbd: {  	_ =	sfence  }
0xbe: {  	s30 =	sld [smem:$0x0];
	_ =	sdelay $0x2  }
0xbf: {  	s31 =	sshll.u32 s1, $0xD;
	s1 =	sshrl.u32 s1, $0x2  }
0xc0: {  	s3 =	sand.u32 $0x4000, s31;
	s1 =	sadd.s32 s1, s30  }
0xc1: {  	s0 =	sor.u32 s3, s0;
	s1 =	sshll.u32 s1, $0x11  }
0xc2: {  	s0 =	sor.u32 s1, s0  }
0xc3: {  	s0 =	sadd.s32 $0x8F2B, s0  }
0xc4: {  	[sflag:s0] =	ssyncadd.remote.s32 $0x1  }
0xc5: {  	_ =	sfence.sel $0xFFFF  }
0xc6: {  	[dreg:$0x0] =	wrdreg $0xFFFFFFFF;
	(pc) =	sbr.abs _section_cstart, $3  }
0xc7: {  	[dreg:$0x1] =	wrdreg $0xFFFFFFFF  }
0xc8: {  	_ =	task.clear_ibuf [dreg:s8], $0x2FFFF;
	_ =	strace $0x9FFFFFFF  }
0xc9: {  	(tm) =	ssettm $0x7FFFFFFF  }
tec
execute0_lowered:
.L_overlay_start_1:
0x0: {  	(tag) =	ssettag $0x1  }
0x1: {  	s0 =	srdreg.scid  }
0x2: {  	s1 =	stileid.u32;
	s14 =	sand.u32 $0x1, s0  }
0x3: {  	s0 =	sor.u32 s14, s1  }
0x4: {  	p1 =	seq.s32 s14, $0x1;
	p0 =	seq.s32 s0, $0x0  }
0x5: {  	p0 =	por !p0, !p1  }
0x6: {  	s0 =	simm.s32 $0x1;
	p0 =	por !p0, !p0  }
0x7: {  	s3 =	rddreg [dreg:$0x0];
	s0 =	simm.s32 @!p0 $0x0  }
0x8: {  	s9 =	rddreg [dreg:$0x1];
	s1 =	ssub.s32 s1, s0  }
0x9: {  	s2 =	simm.s32 $0x0;
	s5 =	simm.s32 $0x800;
	s4 =	smul.u32 $0x38800, s1  }
0xa: {  	s7 =	simm.s32 $0x1C000;
	[smem:$0x7FF] =	sst s2;
	s10 =	sshll.u32 s14, $0x7  }
0xb: {  	s3 =	sadd.s32 s3, s10;
	s0 =	rddreg [dreg:$0x2];
	s4 =	sshrl.u32 s4, $0x3  }
0xc: {  	_ =	strace $0x80000047;
	s11 =	smul.u32 $0xE2000, s1;
	s6 =	sadd.s32 s4, s3  }
0xd: {  	s12 =	sadd.s32 $0x1C4A00, s0;
	s4 =	sadd.s32 $0x7000, s6;
	[dreg:$0x5] =	wrdreg s6  }
0xe: {  	s3 =	sshll.u32 s14, $0xA;
	[dreg:$0x4] =	wrdreg s4;
	s4 =	simm.s32 $0x400  }
0xf: {  	[tilespmem:s2], [sflag:$0x2] =	stream.strided.gather [hbm4b:s6+s4], $0x1C000, s5, s4, $0x38;
	[tilespmem:$0x1D000] =	vst v63  }
0x10: {  	s11 =	sor.u32 s3, s11;
	s8 =	rddreg [dreg:$0x4];
	s6 =	simm.s32 $0x2  }
0x11: {  	[tilespmem:s7], [sflag:$0x2] =	stream.linear.gather [hbm4b:s8+s2], $0x200, $0x38;
	[tilespmem:$0x1D000] =	vst v63  }
0x12: {  	s13 =	sadd.s32 $0x38800, s11;
	s26 =	sadd.s32 $0x71000, s11;
	_ =	swait.ge [sflag:s6], $0x1C200  }
0x13: {  	s13 =	sshrl.u32 s13, $0x3;
	s8 =	sshrl.u32 s11, $0x3;
	[sflag:s6] =	ssyncset.done $0x0  }
0x14: {  	s25 =	sadd.s32 s12, s13;
	s15 =	sadd.s32 s12, s8;
	[sflag:s6] =	ssyncadd.s32 $0xFFFE3E00  }
0x15: {  	[hbm4b:s15+s4] =	stream.strided.scatter [tilespmem:s2], [sflag:$0x1], $0x1C000, s5, s4, $0x38;
	[tilespmem:$0x1D000] =	vst v63  }
0x16: {  	s13 =	sshrl.u32 s26, $0x3;
	[dreg:$0x6] =	wrdreg s15;
	s15 =	sadd.s32 $0x7000, s15  }
0x17: {  	[hbm4b:s15+s2] =	stream.linear.scatter [tilespmem:s7], [sflag:$0x1], $0x200, $0x38;
	[tilespmem:$0x1D000] =	vst v63  }
0x18: {  	s13 =	sadd.s32 s12, s13;
	s11 =	sadd.s32 $0xA9800, s11;
	[dreg:$0x8] =	wrdreg s25  }
0x19: {  	[hbm4b:s25+s4] =	stream.strided.scatter [tilespmem:s2], [sflag:$0x1], $0x1C000, s5, s4, $0x38;
	[tilespmem:$0x1D000] =	vst v63  }
0x1a: {  	s11 =	sshrl.u32 s11, $0x3;
	[dreg:$0x7] =	wrdreg s15;
	s15 =	sadd.s32 $0x7000, s25  }
0x1b: {  	[hbm4b:s15+s2] =	stream.linear.scatter [tilespmem:s7], [sflag:$0x1], $0x200, $0x38;
	[tilespmem:$0x1D000] =	vst v63  }
0x1c: {  	[dreg:$0xa] =	wrdreg s13;
	s12 =	sadd.s32 s12, s11  }
0x1d: {  	[hbm4b:s13+s4] =	stream.strided.scatter [tilespmem:s2], [sflag:$0x1], $0x1C000, s5, s4, $0x38;
	[tilespmem:$0x1D000] =	vst v63  }
0x1e: {  	[dreg:$0xc] =	wrdreg s12;
	s13 =	sadd.s32 $0x7000, s13  }
0x1f: {  	[hbm4b:s13+s2] =	stream.linear.scatter [tilespmem:s7], [sflag:$0x1], $0x200, $0x38;
	[tilespmem:$0x1D000] =	vst v63  }
0x20: {  	s9 =	sadd.s32 s9, s10;
	[dreg:$0xb] =	wrdreg s13;
	s13 =	smul.u32 $0x1800, s1  }
0x21: {  	[hbm4b:s12+s4] =	stream.strided.scatter [tilespmem:s2], [sflag:$0x1], $0x1C000, s5, s4, $0x38;
	[tilespmem:$0x1D000] =	vst v63  }
0x22: {  	[dreg:$0x9] =	wrdreg s15;
	s15 =	sadd.s32 $0x7000, s12;
	s11 =	sshrl.u32 s13, $0x3  }
0x23: {  	[dreg:$0xd] =	wrdreg s15;
	s16 =	sadd.s32 s11, s9  }
0x24: {  	[hbm4b:s15+s2] =	stream.linear.scatter [tilespmem:s7], [sflag:$0x1], $0x200, $0x38;
	[tilespmem:$0x1D000] =	vst v63  }
0x25: {  	s17 =	simm.s32 $0x1C400;
	[dreg:$0xe] =	wrdreg s16;
	s10 =	sadd.s32 $0x200, s16  }
0x26: {  	[tilespmem:s17], [sflag:$0x2] =	stream.strided.gather [hbm4b:s16+s4], $0x800, s5, s4, $0x38;
	[tilespmem:$0x1D000] =	vst v63  }
0x27: {  	s18 =	simm.s32 $0x1CC00;
	s19 =	smul.u32 $0x6000, s1;
	[dreg:$0xf] =	wrdreg s10  }
0x28: {  	[tilespmem:s18], [sflag:$0x2] =	stream.linear.gather [hbm4b:s10+s2], $0x100, $0x38;
	[tilespmem:$0x1D000] =	vst v63  }
0x29: {  	s9 =	sor.u32 s3, s19;
	_ =	swait.ge [sflag:s6], $0x900  }
0x2a: {  	s20 =	sadd.s32 $0x388A00, s0;
	s23 =	sshrl.u32 s9, $0x3;
	[sflag:s6] =	ssyncset.done $0x0  }
0x2b: {  	s11 =	sadd.s32 s20, s23;
	[sflag:s6] =	ssyncadd.s32 $0xFFFFF700  }
0x2c: {  	[hbm4b:s11+s4] =	stream.strided.scatter [tilespmem:s17], [sflag:$0x1], $0x800, s5, s4, $0x38;
	[tilespmem:$0x1D000] =	vst v63  }
0x2d: {  	s24 =	sadd.s32 $0x200, s11  }
0x2e: {  	[hbm4b:s24+s2] =	stream.linear.scatter [tilespmem:s18], [sflag:$0x1], $0x100, $0x38;
	[tilespmem:$0x1D000] =	vst v63  }
0x2f: {  	s26 =	sadd.s32 $0x3000, s9;
	s25 =	sadd.s32 $0x300, s11  }
0x30: {  	[hbm4b:s25+s4] =	stream.strided.scatter [tilespmem:s17], [sflag:$0x1], $0x800, s5, s4, $0x38;
	[tilespmem:$0x1D000] =	vst v63  }
0x31: {  	s21 =	smov.u32 s11;
	s23 =	sadd.s32 $0x200, s25;
	s11 =	sshrl.u32 s26, $0x3  }
0x32: {  	[hbm4b:s23+s2] =	stream.linear.scatter [tilespmem:s18], [sflag:$0x1], $0x100, $0x38;
	[tilespmem:$0x1D000] =	vst v63  }
0x33: {  	s9 =	sadd.s32 $0x4800, s9;
	[dreg:$0x10] =	wrdreg s24;
	s24 =	sadd.s32 s20, s11  }
0x34: {  	[hbm4b:s24+s4] =	stream.strided.scatter [tilespmem:s17], [sflag:$0x1], $0x800, s5, s4, $0x38;
	[tilespmem:$0x1D000] =	vst v63  }
0x35: {  	s9 =	sshrl.u32 s9, $0x3;
	s22 =	smov.u32 s25;
	s25 =	sadd.s32 $0x200, s24  }
0x36: {  	[hbm4b:s25+s2] =	stream.linear.scatter [tilespmem:s18], [sflag:$0x1], $0x100, $0x38;
	[tilespmem:$0x1D000] =	vst v63  }
0x37: {  	s26 =	sadd.s32 s20, s9  }
0x38: {  	[hbm4b:s26+s4] =	stream.strided.scatter [tilespmem:s17], [sflag:$0x1], $0x800, s5, s4, $0x38;
	[tilespmem:$0x1D000] =	vst v63  }
0x39: {  	s29 =	simm.s32 $0x1;
	s28 =	sadd.s32 $0x200, s26  }
0x3a: {  	[hbm4b:s28+s2] =	stream.linear.scatter [tilespmem:s18], [sflag:$0x1], $0x100, $0x38;
	[tilespmem:$0x1D000] =	vst v63  }
0x3b: {  	_ =	swait.ge [sflag:s29], $0x1C200  }
0x3c: {  	[sflag:s29] =	ssyncset.done $0x0  }
0x3d: {  	[sflag:s29] =	ssyncadd.s32 $0xFFFE3E00  }
0x3e: {  	_ =	swait.ge [sflag:s29], $0x1C200  }
0x3f: {  	[sflag:s29] =	ssyncset.done $0x0  }
0x40: {  	[sflag:s29] =	ssyncadd.s32 $0xFFFE3E00  }
0x41: {  	_ =	swait.ge [sflag:s29], $0x1C200  }
0x42: {  	[sflag:s29] =	ssyncset.done $0x0  }
0x43: {  	[sflag:s29] =	ssyncadd.s32 $0xFFFE3E00  }
0x44: {  	_ =	swait.ge [sflag:s29], $0x1C200  }
0x45: {  	[sflag:s29] =	ssyncset.done $0x0  }
0x46: {  	[sflag:s29] =	ssyncadd.s32 $0xFFFE3E00  }
0x47: {  	_ =	swait.ge [sflag:s29], $0x900  }
0x48: {  	[sflag:s29] =	ssyncset.done $0x0  }
0x49: {  	[sflag:s29] =	ssyncadd.s32 $0xFFFFF700  }
0x4a: {  	_ =	swait.ge [sflag:s29], $0x900  }
0x4b: {  	[sflag:s29] =	ssyncset.done $0x0  }
0x4c: {  	[sflag:s29] =	ssyncadd.s32 $0xFFFFF700  }
0x4d: {  	_ =	swait.ge [sflag:s29], $0x900  }
0x4e: {  	[sflag:s29] =	ssyncset.done $0x0  }
0x4f: {  	[sflag:s29] =	ssyncadd.s32 $0xFFFFF700  }
0x50: {  	_ =	swait.ge [sflag:s29], $0x900  }
0x51: {  	s13 =	sadd.s32 s8, s0;
	[sflag:s29] =	ssyncset.done $0x0  }
0x52: {  	s31 =	simm.s32 $0x2000;
	s30 =	sadd.s32 $0xA00, s13;
	[sflag:s29] =	ssyncadd.s32 $0xFFFFF700  }
0x53: {  	[tilespmem:s2], [sflag:$0x2] =	stream.strided.gather [hbm4b:s30+s4], $0x1C000, s31, s4, $0x38;
	[tilespmem:$0x1D000] =	vst v63  }
0x54: {  	s15 =	smul.u32 $0xA9800, s1;
	s1 =	sadd.s32 $0x1C000, s30  }
0x55: {  	[tilespmem:s7], [sflag:$0x2] =	stream.linear.gather [hbm4b:s1+s2], $0x200, $0x38;
	[tilespmem:$0x1D000] =	vst v63  }
0x56: {  	s15 =	sor.u32 s3, s15;
	_ =	swait.ge [sflag:s6], $0x1C200  }
0x57: {  	s19 =	sadd.s32 $0x394A00, s0;
	s16 =	sshrl.u32 s15, $0x3;
	[sflag:s6] =	ssyncset.done $0x0  }
0x58: {  	s0 =	sadd.s32 s19, s16;
	[sflag:s6] =	ssyncadd.s32 $0xFFFE3E00  }
0x59: {  	[hbm4b:s0+s4] =	stream.strided.scatter [tilespmem:s2], [sflag:$0x2], $0x1C000, s5, s4, $0x38;
	[tilespmem:$0x1D000] =	vst v63  }
0x5a: {  	s3 =	sadd.s32 $0x7000, s0  }
0x5b: {  	[hbm4b:s3+s2] =	stream.linear.scatter [tilespmem:s7], [sflag:$0x2], $0x200, $0x38;
	[tilespmem:$0x1D000] =	vst v63  }
0x5c: {  	_ =	swait.ge [sflag:s6], $0x1C200  }
0x5d: {  	[sflag:s6] =	ssyncset.done $0x0  }
0x5e: {  	s8 =	sadd.s32 $0xB00, s13;
	[sflag:s6] =	ssyncadd.s32 $0xFFFE3E00  }
0x5f: {  	[tilespmem:s2], [sflag:$0x2] =	stream.strided.gather [hbm4b:s8+s4], $0x1C000, s31, s4, $0x38;
	[tilespmem:$0x1D000] =	vst v63  }
0x60: {  	s9 =	sadd.s32 $0x1C000, s8  }
0x61: {  	[tilespmem:s7], [sflag:$0x2] =	stream.linear.gather [hbm4b:s9+s2], $0x200, $0x38;
	[tilespmem:$0x1D000] =	vst v63  }
0x62: {  	s20 =	sadd.s32 $0x38800, s15;
	_ =	swait.ge [sflag:s6], $0x1C200  }
0x63: {  	s10 =	sshrl.u32 s20, $0x3;
	[sflag:s6] =	ssyncset.done $0x0  }
0x64: {  	s10 =	sadd.s32 s19, s10;
	[sflag:s6] =	ssyncadd.s32 $0xFFFE3E00  }
0x65: {  	[hbm4b:s10+s4] =	stream.strided.scatter [tilespmem:s2], [sflag:$0x2], $0x1C000, s5, s4, $0x38;
	[tilespmem:$0x1D000] =	vst v63  }
0x66: {  	s11 =	sadd.s32 $0x7000, s10  }
0x67: {  	[hbm4b:s11+s2] =	stream.linear.scatter [tilespmem:s7], [sflag:$0x2], $0x200, $0x38;
	[tilespmem:$0x1D000] =	vst v63  }
0x68: {  	_ =	swait.ge [sflag:s6], $0x1C200  }
0x69: {  	[sflag:s6] =	ssyncset.done $0x0  }
0x6a: {  	s14 =	ssub.s32 $0x2, s14;
	s12 =	sadd.s32 $0xC00, s13;
	[sflag:s6] =	ssyncadd.s32 $0xFFFE3E00  }
0x6b: {  	[tilespmem:s2], [sflag:$0x2] =	stream.strided.gather [hbm4b:s12+s4], $0x1C000, s31, s4, $0x38;
	[tilespmem:$0x1D000] =	vst v63  }
0x6c: {  	s13 =	sadd.s32 $0x1C000, s12;
	s16 =	sshrl.u32 s14, $0x1  }
0x6d: {  	[tilespmem:s7], [sflag:$0x2] =	stream.linear.gather [hbm4b:s13+s2], $0x200, $0x38;
	[tilespmem:$0x1D000] =	vst v63  }
0x6e: {  	s16 =	ssub.s32 s14, s16;
	s15 =	sadd.s32 $0x71000, s15;
	_ =	swait.ge [sflag:s6], $0x1C200  }
0x6f: {  	s16 =	smax.u32 s16, $0x1;
	s15 =	sshrl.u32 s15, $0x3;
	[sflag:s6] =	ssyncset.done $0x0  }
0x70: {  	p0 =	sne.s32 s16, $0x1;
	s14 =	sadd.s32 s19, s15;
	[sflag:s6] =	ssyncadd.s32 $0xFFFE3E00  }
0x71: {  	[hbm4b:s14+s4] =	stream.strided.scatter [tilespmem:s2], [sflag:$0x2], $0x1C000, s5, s4, $0x38;
	[tilespmem:$0x1D000] =	vst v63  }
.Ltmp0:
0x72: {  	_ = 	snop;
	(pc) =	sbr.rel @!p0 .LBB2_2-.Ltmp0, $4  }
0x73: {  	s15 =	sadd.s32 $0x7000, s14  }
0x74: {  	[hbm4b:s15+s2] =	stream.linear.scatter [tilespmem:s7], [sflag:$0x2], $0x200, $0x38;
	[tilespmem:$0x1D000] =	vst v63  }
0x75: {  	_ =	swait.ge [sflag:s6], $0x1C200  }
0x76: {  	s16 =	sadd.s32 $0xFFFFFFFF, s16;
	[sflag:s6] =	ssyncset.done $0x0  }
.LBB2_1:
0x77: {  	[sflag:s6] =	ssyncadd.s32 $0xFFFE3E00;
	s20 =	rddreg [dreg:$0x5]  }
0x78: {  	[tilespmem:s2], [sflag:$0x2] =	stream.strided.gather [hbm4b:s20+s4], $0x1C000, s5, s4, $0x38;
	[tilespmem:$0x1D000] =	vst v63  }
0x79: {  	s19 =	rddreg [dreg:$0x4]  }
0x7a: {  	[tilespmem:s7], [sflag:$0x2] =	stream.linear.gather [hbm4b:s19+s2], $0x200, $0x38;
	[tilespmem:$0x1D000] =	vst v63  }
0x7b: {  	_ =	swait.ge [sflag:s6], $0x1C200  }
0x7c: {  	[sflag:s6] =	ssyncset.done $0x0  }
0x7d: {  	s20 =	rddreg [dreg:$0x6];
	[sflag:s6] =	ssyncadd.s32 $0xFFFE3E00  }
0x7e: {  	[hbm4b:s20+s4] =	stream.strided.scatter [tilespmem:s2], [sflag:$0x1], $0x1C000, s5, s4, $0x38;
	[tilespmem:$0x1D000] =	vst v63  }
0x7f: {  	s20 =	rddreg [dreg:$0x7]  }
0x80: {  	[hbm4b:s20+s2] =	stream.linear.scatter [tilespmem:s7], [sflag:$0x1], $0x200, $0x38;
	[tilespmem:$0x1D000] =	vst v63  }
0x81: {  	s20 =	rddreg [dreg:$0x8]  }
0x82: {  	[hbm4b:s20+s4] =	stream.strided.scatter [tilespmem:s2], [sflag:$0x1], $0x1C000, s5, s4, $0x38;
	[tilespmem:$0x1D000] =	vst v63  }
0x83: {  	s20 =	rddreg [dreg:$0x9]  }
0x84: {  	[hbm4b:s20+s2] =	stream.linear.scatter [tilespmem:s7], [sflag:$0x1], $0x200, $0x38;
	[tilespmem:$0x1D000] =	vst v63  }
0x85: {  	s20 =	rddreg [dreg:$0xa]  }
0x86: {  	[hbm4b:s20+s4] =	stream.strided.scatter [tilespmem:s2], [sflag:$0x1], $0x1C000, s5, s4, $0x38;
	[tilespmem:$0x1D000] =	vst v63  }
0x87: {  	s20 =	rddreg [dreg:$0xb]  }
0x88: {  	[hbm4b:s20+s2] =	stream.linear.scatter [tilespmem:s7], [sflag:$0x1], $0x200, $0x38;
	[tilespmem:$0x1D000] =	vst v63  }
0x89: {  	s20 =	rddreg [dreg:$0xc]  }
0x8a: {  	[hbm4b:s20+s4] =	stream.strided.scatter [tilespmem:s2], [sflag:$0x1], $0x1C000, s5, s4, $0x38;
	[tilespmem:$0x1D000] =	vst v63  }
0x8b: {  	s20 =	rddreg [dreg:$0xd]  }
0x8c: {  	[hbm4b:s20+s2] =	stream.linear.scatter [tilespmem:s7], [sflag:$0x1], $0x200, $0x38;
	[tilespmem:$0x1D000] =	vst v63  }
0x8d: {  	s20 =	rddreg [dreg:$0xe]  }
0x8e: {  	[tilespmem:s17], [sflag:$0x2] =	stream.strided.gather [hbm4b:s20+s4], $0x800, s5, s4, $0x38;
	[tilespmem:$0x1D000] =	vst v63  }
0x8f: {  	s20 =	rddreg [dreg:$0xf]  }
0x90: {  	[tilespmem:s18], [sflag:$0x2] =	stream.linear.gather [hbm4b:s20+s2], $0x100, $0x38;
	[tilespmem:$0x1D000] =	vst v63  }
0x91: {  	_ =	swait.ge [sflag:s6], $0x900  }
0x92: {  	[sflag:s6] =	ssyncset.done $0x0  }
0x93: {  	[sflag:s6] =	ssyncadd.s32 $0xFFFFF700  }
0x94: {  	[hbm4b:s21+s4] =	stream.strided.scatter [tilespmem:s17], [sflag:$0x1], $0x800, s5, s4, $0x38;
	[tilespmem:$0x1D000] =	vst v63  }
0x95: {  	s20 =	rddreg [dreg:$0x10]  }
0x96: {  	[hbm4b:s20+s2] =	stream.linear.scatter [tilespmem:s18], [sflag:$0x1], $0x100, $0x38;
	[tilespmem:$0x1D000] =	vst v63  }
0x97: {  	_ = 	snop  }
0x98: {  	[hbm4b:s22+s4] =	stream.strided.scatter [tilespmem:s17], [sflag:$0x1], $0x800, s5, s4, $0x38;
	[tilespmem:$0x1D000] =	vst v63  }
0x99: {  	_ = 	snop  }
0x9a: {  	[hbm4b:s23+s2] =	stream.linear.scatter [tilespmem:s18], [sflag:$0x1], $0x100, $0x38;
	[tilespmem:$0x1D000] =	vst v63  }
0x9b: {  	_ = 	snop  }
0x9c: {  	[hbm4b:s24+s4] =	stream.strided.scatter [tilespmem:s17], [sflag:$0x1], $0x800, s5, s4, $0x38;
	[tilespmem:$0x1D000] =	vst v63  }
0x9d: {  	_ = 	snop  }
0x9e: {  	[hbm4b:s25+s2] =	stream.linear.scatter [tilespmem:s18], [sflag:$0x1], $0x100, $0x38;
	[tilespmem:$0x1D000] =	vst v63  }
0x9f: {  	_ = 	snop  }
0xa0: {  	[hbm4b:s26+s4] =	stream.strided.scatter [tilespmem:s17], [sflag:$0x1], $0x800, s5, s4, $0x38;
	[tilespmem:$0x1D000] =	vst v63  }
0xa1: {  	_ = 	snop  }
0xa2: {  	[hbm4b:s28+s2] =	stream.linear.scatter [tilespmem:s18], [sflag:$0x1], $0x100, $0x38;
	[tilespmem:$0x1D000] =	vst v63  }
0xa3: {  	_ =	swait.ge [sflag:s29], $0x1C200  }
0xa4: {  	[sflag:s29] =	ssyncset.done $0x0  }
0xa5: {  	[sflag:s29] =	ssyncadd.s32 $0xFFFE3E00  }
0xa6: {  	_ =	swait.ge [sflag:s29], $0x1C200  }
0xa7: {  	[sflag:s29] =	ssyncset.done $0x0  }
0xa8: {  	[sflag:s29] =	ssyncadd.s32 $0xFFFE3E00  }
0xa9: {  	_ =	swait.ge [sflag:s29], $0x1C200  }
0xaa: {  	[sflag:s29] =	ssyncset.done $0x0  }
0xab: {  	[sflag:s29] =	ssyncadd.s32 $0xFFFE3E00  }
0xac: {  	_ =	swait.ge [sflag:s29], $0x1C200  }
0xad: {  	[sflag:s29] =	ssyncset.done $0x0  }
0xae: {  	[sflag:s29] =	ssyncadd.s32 $0xFFFE3E00  }
0xaf: {  	_ =	swait.ge [sflag:s29], $0x900  }
0xb0: {  	[sflag:s29] =	ssyncset.done $0x0  }
0xb1: {  	[sflag:s29] =	ssyncadd.s32 $0xFFFFF700  }
0xb2: {  	_ =	swait.ge [sflag:s29], $0x900  }
0xb3: {  	[sflag:s29] =	ssyncset.done $0x0  }
0xb4: {  	[sflag:s29] =	ssyncadd.s32 $0xFFFFF700  }
0xb5: {  	_ =	swait.ge [sflag:s29], $0x900  }
0xb6: {  	[sflag:s29] =	ssyncset.done $0x0  }
0xb7: {  	[sflag:s29] =	ssyncadd.s32 $0xFFFFF700  }
0xb8: {  	_ =	swait.ge [sflag:s29], $0x900  }
0xb9: {  	[sflag:s29] =	ssyncset.done $0x0  }
0xba: {  	[sflag:s29] =	ssyncadd.s32 $0xFFFFF700  }
0xbb: {  	[tilespmem:s2], [sflag:$0x2] =	stream.strided.gather [hbm4b:s30+s4], $0x1C000, s31, s4, $0x38;
	[tilespmem:$0x1D000] =	vst v63  }
0xbc: {  	_ = 	snop  }
0xbd: {  	[tilespmem:s7], [sflag:$0x2] =	stream.linear.gather [hbm4b:s1+s2], $0x200, $0x38;
	[tilespmem:$0x1D000] =	vst v63  }
0xbe: {  	_ =	swait.ge [sflag:s6], $0x1C200  }
0xbf: {  	[sflag:s6] =	ssyncset.done $0x0  }
0xc0: {  	[sflag:s6] =	ssyncadd.s32 $0xFFFE3E00  }
0xc1: {  	[hbm4b:s0+s4] =	stream.strided.scatter [tilespmem:s2], [sflag:$0x2], $0x1C000, s5, s4, $0x38;
	[tilespmem:$0x1D000] =	vst v63  }
0xc2: {  	_ = 	snop  }
0xc3: {  	[hbm4b:s3+s2] =	stream.linear.scatter [tilespmem:s7], [sflag:$0x2], $0x200, $0x38;
	[tilespmem:$0x1D000] =	vst v63  }
0xc4: {  	_ =	swait.ge [sflag:s6], $0x1C200  }
0xc5: {  	[sflag:s6] =	ssyncset.done $0x0  }
0xc6: {  	[sflag:s6] =	ssyncadd.s32 $0xFFFE3E00  }
0xc7: {  	[tilespmem:s2], [sflag:$0x2] =	stream.strided.gather [hbm4b:s8+s4], $0x1C000, s31, s4, $0x38;
	[tilespmem:$0x1D000] =	vst v63  }
0xc8: {  	_ = 	snop  }
0xc9: {  	[tilespmem:s7], [sflag:$0x2] =	stream.linear.gather [hbm4b:s9+s2], $0x200, $0x38;
	[tilespmem:$0x1D000] =	vst v63  }
0xca: {  	_ =	swait.ge [sflag:s6], $0x1C200  }
0xcb: {  	[sflag:s6] =	ssyncset.done $0x0  }
0xcc: {  	[sflag:s6] =	ssyncadd.s32 $0xFFFE3E00  }
0xcd: {  	[hbm4b:s10+s4] =	stream.strided.scatter [tilespmem:s2], [sflag:$0x2], $0x1C000, s5, s4, $0x38;
	[tilespmem:$0x1D000] =	vst v63  }
0xce: {  	_ = 	snop  }
0xcf: {  	[hbm4b:s11+s2] =	stream.linear.scatter [tilespmem:s7], [sflag:$0x2], $0x200, $0x38;
	[tilespmem:$0x1D000] =	vst v63  }
0xd0: {  	_ =	swait.ge [sflag:s6], $0x1C200  }
0xd1: {  	[sflag:s6] =	ssyncset.done $0x0  }
0xd2: {  	[sflag:s6] =	ssyncadd.s32 $0xFFFE3E00  }
0xd3: {  	[tilespmem:s2], [sflag:$0x2] =	stream.strided.gather [hbm4b:s12+s4], $0x1C000, s31, s4, $0x38;
	[tilespmem:$0x1D000] =	vst v63  }
0xd4: {  	_ = 	snop  }
0xd5: {  	[tilespmem:s7], [sflag:$0x2] =	stream.linear.gather [hbm4b:s13+s2], $0x200, $0x38;
	[tilespmem:$0x1D000] =	vst v63  }
0xd6: {  	_ =	swait.ge [sflag:s6], $0x1C200  }
0xd7: {  	[sflag:s6] =	ssyncset.done $0x0  }
0xd8: {  	p0 =	sne.s32 s16, $0x1;
	[sflag:s6] =	ssyncadd.s32 $0xFFFE3E00  }
0xd9: {  	[hbm4b:s14+s4] =	stream.strided.scatter [tilespmem:s2], [sflag:$0x2], $0x1C000, s5, s4, $0x38;
	[tilespmem:$0x1D000] =	vst v63  }
.Ltmp1:
0xda: {  	_ = 	snop;
	(pc) =	sbr.rel @p0 .LBB2_1-.Ltmp1, $4  }
0xdb: {  	_ = 	snop  }
0xdc: {  	[hbm4b:s15+s2] =	stream.linear.scatter [tilespmem:s7], [sflag:$0x2], $0x200, $0x38;
	[tilespmem:$0x1D000] =	vst v63  }
0xdd: {  	_ =	swait.ge [sflag:s6], $0x1C200  }
0xde: {  	s16 =	sadd.s32 $0xFFFFFFFF, s16;
	[sflag:s6] =	ssyncset.done $0x0  }
.LBB2_2:
0xdf: {  	[sflag:s6] =	ssyncadd.s32 $0xFFFE3E00  }
0xe0: {  	_ =	sfence.sel $0x180000  }
0xe1: {  	[bflag:$0x0] =	sbarrier.arrive $0xFFFF  }
0xe2: {  	_ =	strace $0x90000047  }
0xe3: {  	s0 =	stileid.u32;
	[bflag:$0x2] =	sbarrier.arrive $0xFFFF  }
0xe4: {  	p0 =	sne.s32 s0, $0x0;
	s0 =	rddreg [dreg:$0x3]  }
0xe5: {  	s0 =	sadd.s32 @!p0 $0x100000, s0  }
0xe6: {  	[sflag:s0] =	ssyncadd.tile.s32 @!p0 $0x1;
	_ =	shalt  }
.Lfunc_end2:
_tile_overlayer_lowered:
.L_overlay_start_2:
0xe7: {  	(tag) =	ssettag $0x2  }
0xe8: {  	s0 =	rddreg [dreg:$0x0];
	s2 =	stileid.u32  }
0xe9: {  	s1 =	rddreg [dreg:$0x1];
	p0 =	sne.s32 s2, $0x0  }
0xea: {  	s3 =	rddreg [dreg:$0x2];
	[bflag:$0x3] =	sbarrier.arrive $0xFFFF;
	s2 =	simm.s32 @!p0 $0x1C02  }
0xeb: {  	[timem:s3], [sflag:s2] =	dma.local @!p0 [hbm:s0], s1  }
0xec: {  	s0 =	simm.s32 @!p0 $0x2  }
0xed: {  	_ =	swait.ge @!p0 [sflag:s0], s1  }
0xee: {  	s1 =	ssub.s32 @!p0 $0x0, s1;
	[sflag:s0] =	ssyncset.done @!p0 $0x0  }
0xef: {  	[sflag:s0] =	ssyncadd.s32 @!p0 s1  }
0xf0: {  	[bflag:$0x3] =	sbarrier.arrive $0xFFFF  }
0xf1: {  	_ =	shalt  }

</sc_bundles>
